<compile_context>
chip_gen: v7x
topology: tpu7x:2x2x1
jax: 0.10.2.dev20260603
libtpu: 0.0.44.dev20260713+nightly
codegen_flags: <defaults>
</compile_context>

<pallas_src>
import functools

import jax
import jax.numpy as jnp
from jax import lax
from jax.experimental import pallas as pl
from jax.experimental.pallas import tpu as pltpu
from jax.experimental.pallas import tpu_sc as plsc

BATCH = 16384
NC = 2
NS = 16
NW = NC * NS
LANES = 16
BPW = BATCH // NW
CHUNK = 128
NCHUNK = BPW // CHUNK


def _sc_lookup_sum(user_idx, mission_idx, user_table, mission_table, bias16):
    mesh = plsc.VectorSubcoreMesh(core_axis_name="c", subcore_axis_name="s")

    @functools.partial(
        pl.kernel,
        mesh=mesh,
        out_type=jax.ShapeDtypeStruct((BATCH,), jnp.float32),
        scratch_types=[
            pltpu.VMEM((NCHUNK, CHUNK), jnp.int32),
            pltpu.VMEM((NCHUNK, CHUNK), jnp.int32),
            pltpu.VMEM((NCHUNK, CHUNK), jnp.float32),
            pltpu.VMEM((NCHUNK, CHUNK), jnp.float32),
            pltpu.VMEM((LANES,), jnp.float32),
            pltpu.SemaphoreType.DMA,
            pltpu.SemaphoreType.DMA,
            pltpu.SemaphoreType.DMA,
        ],
    )
    def k(uidx_hbm, midx_hbm, ut_hbm, mt_hbm, bias_hbm, out_hbm,
          uix, mix, uval, mval, bv, gsem, isem, wsem):
        wid = lax.axis_index("s") * NC + lax.axis_index("c")
        base = wid * BPW
        bcp = pltpu.async_copy(bias_hbm, bv, isem)
        idx_copies = []
        for j in range(NCHUNK):
            src = pl.ds(base + j * CHUNK, CHUNK)
            idx_copies.append(
                pltpu.async_copy(uidx_hbm.at[src], uix.at[j], isem))
            idx_copies.append(
                pltpu.async_copy(midx_hbm.at[src], mix.at[j], isem))
        gathers = []
        for j in range(NCHUNK):
            idx_copies[2 * j].wait()
            idx_copies[2 * j + 1].wait()
            gathers.append(
                (pltpu.async_copy(ut_hbm.at[0].at[uix.at[j]], uval.at[j], gsem),
                 pltpu.async_copy(mt_hbm.at[0].at[mix.at[j]], mval.at[j], gsem)))
        bcp.wait()
        b = bv[...]
        writes = []
        for j in range(NCHUNK):
            gu, gm = gathers[j]
            gu.wait()
            gm.wait()
            for t in range(CHUNK // LANES):
                s = pl.ds(t * LANES, LANES)
                uval[j, s] = uval[j, s] + mval[j, s] + b
            writes.append(pltpu.async_copy(
                uval.at[j], out_hbm.at[pl.ds(base + j * CHUNK, CHUNK)], wsem))
        for w in writes:
            w.wait()

    return k(user_idx, mission_idx, user_table, mission_table, bias16)


def kernel(user, mission, user_table, mission_table, bias):
    bias16 = jnp.broadcast_to(bias.reshape(()), (LANES,)).astype(jnp.float32)
    out = _sc_lookup_sum(user.astype(jnp.int32), mission.astype(jnp.int32),
                         user_table.reshape(1, -1), mission_table.reshape(1, -1),
                         bias16)
    return out

# --- scband reference (transcript-rebuilt; emitter-appended) ---
"""Pipeline reference for scband-linear-regression-29953101923114 (READ-ONLY COPY).

The authoritative reference and input builder live on the scoring server;
editing this copy changes nothing except your own understanding.
"""

import jax, jax.numpy as jnp
import numpy as np

NUM_USERS = 1000000
NUM_MISSIONS = 100000
BATCH = 16384


def setup_inputs(seed: int = 0) -> dict:
    key = jax.random.key(seed)
    k1, k2, k3, k4 = jax.random.split(key, 4)
    user = jax.random.randint(k1, (BATCH,), 0, NUM_USERS, dtype=jnp.int64 if jax.config.jax_enable_x64 else jnp.int32)
    mission = jax.random.randint(k2, (BATCH,), 0, NUM_MISSIONS, dtype=jnp.int64 if jax.config.jax_enable_x64 else jnp.int32)
    user_table = jax.random.normal(k3, (NUM_USERS, 1), dtype=jnp.float32)
    mission_table = jax.random.normal(k4, (NUM_MISSIONS, 1), dtype=jnp.float32)
    bias = jnp.zeros((1,), dtype=jnp.float32)
    return {"user": user, "mission": mission, "user_table": user_table, "mission_table": mission_table, "bias": bias}


def reference(user, mission, user_table, mission_table, bias):
    # user_emb = self.user_embedding(user).squeeze()
    user_emb = jnp.take(user_table, user, axis=0).squeeze()
    # mission_emb = self.mission_embedding(mission).squeeze()
    mission_emb = jnp.take(mission_table, mission, axis=0).squeeze()
    # dot = user_emb + mission_emb + self.bias
    dot = user_emb + mission_emb + bias
    return dot.flatten()

if __name__ == "__main__":
    import jax
    _d = setup_inputs()
    print(jax.jit(kernel)(*tuple(_d.values())))

</pallas_src>

<mosaic_0001>
#map = affine_map<(d0, d1) -> (0)>
#map1 = affine_map<(d0, d1) -> (0, 0)>
module attributes {stable_mosaic.version = 14 : i64} {
  func.func @k(%arg0: i32, %arg1: i32, %arg2: memref<16384xi32, #tpu.memory_space<hbm>>, %arg3: memref<16384xi32, #tpu.memory_space<hbm>>, %arg4: memref<1x1000000xf32, #tpu.memory_space<hbm>>, %arg5: memref<1x100000xf32, #tpu.memory_space<hbm>>, %arg6: memref<16xf32, #tpu.memory_space<hbm>>, %arg7: memref<16384xf32, #tpu.memory_space<hbm>>, %arg8: memref<4x128xi32, #tpu.memory_space<vmem>>, %arg9: memref<4x128xi32, #tpu.memory_space<vmem>>, %arg10: memref<4x128xf32, #tpu.memory_space<vmem>>, %arg11: memref<4x128xf32, #tpu.memory_space<vmem>>, %arg12: memref<16xf32, #tpu.memory_space<vmem>>, %arg13: memref<!tpu.dma_semaphore, #tpu.memory_space<semaphore_mem>>, %arg14: memref<!tpu.dma_semaphore, #tpu.memory_space<semaphore_mem>>, %arg15: memref<!tpu.dma_semaphore, #tpu.memory_space<semaphore_mem>>) attributes {dimension_semantics = [#tpu.dimension_semantics<core_parallel>, #tpu.dimension_semantics<subcore_parallel>], iteration_bounds = array<i64: 2, 16>, scalar_prefetch = 0 : i64, scratch_operands = 8 : i64, tpu.core_type = #tpu.core_type<sc_vector_subcore>, window_params = [{transform_indices = #map}, {transform_indices = #map}, {transform_indices = #map1}, {transform_indices = #map1}, {transform_indices = #map}, {transform_indices = #map}]} {
    %mul3A = arith.constant 2 : i32
    %mul3A_0 = arith.muli %arg1, %mul3A : i32
    %add3A = arith.addi %mul3A_0, %arg0 : i32
    %mul3A_1 = arith.constant 512 : i32
    %mul3A_2 = arith.muli %add3A, %mul3A_1 : i32
    tpu.enqueue_dma source(%arg6 : memref<16xf32, #tpu.memory_space<hbm>>) target(%arg12 : memref<16xf32, #tpu.memory_space<vmem>>) target_semaphore(%arg14 : memref<!tpu.dma_semaphore, #tpu.memory_space<semaphore_mem>>)
    %add3A_3 = arith.constant 0 : i32
    %add3A_4 = arith.addi %mul3A_2, %add3A_3 : i32
    %dma_start3A = arith.constant 0 : i32
    %dma_start3A_5 = arith.constant 0 : i32
    %dma_start3A_6 = tpu.memref_slice %arg8[%dma_start3A, %dma_start3A_5] : memref<4x128xi32, #tpu.memory_space<vmem>> -> memref<1x128xi32, #tpu.memory_space<vmem>>
    %dma_start3A_7 = tpu.memref_squeeze %dma_start3A_6 : memref<1x128xi32, #tpu.memory_space<vmem>> -> memref<128xi32, #tpu.memory_space<vmem>>
    %dma_start3A_8 = tpu.memref_slice %arg2[%add3A_4] : memref<16384xi32, #tpu.memory_space<hbm>> -> memref<128xi32, #tpu.memory_space<hbm>>
    %dma_start3A_9 = arith.constant 0 : i32
    %dma_start3A_10 = tpu.memref_slice %arg8[%dma_start3A, %dma_start3A_9] : memref<4x128xi32, #tpu.memory_space<vmem>> -> memref<1x128xi32, #tpu.memory_space<vmem>>
    %dma_start3A_11 = tpu.memref_squeeze %dma_start3A_10 : memref<1x128xi32, #tpu.memory_space<vmem>> -> memref<128xi32, #tpu.memory_space<vmem>>
    %dma_start3A_12 = tpu.memref_slice %arg2[%add3A_4] : memref<16384xi32, #tpu.memory_space<hbm>> -> memref<128xi32, #tpu.memory_space<hbm>>
    tpu.enqueue_dma source(%dma_start3A_12 : memref<128xi32, #tpu.memory_space<hbm>>) target(%dma_start3A_11 : memref<128xi32, #tpu.memory_space<vmem>>) target_semaphore(%arg14 : memref<!tpu.dma_semaphore, #tpu.memory_space<semaphore_mem>>)
    %dma_start3A_13 = arith.constant 0 : i32
    %dma_start3A_14 = arith.constant 0 : i32
    %dma_start3A_15 = tpu.memref_slice %arg9[%dma_start3A_13, %dma_start3A_14] : memref<4x128xi32, #tpu.memory_space<vmem>> -> memref<1x128xi32, #tpu.memory_space<vmem>>
    %dma_start3A_16 = tpu.memref_squeeze %dma_start3A_15 : memref<1x128xi32, #tpu.memory_space<vmem>> -> memref<128xi32, #tpu.memory_space<vmem>>
    %dma_start3A_17 = tpu.memref_slice %arg3[%add3A_4] : memref<16384xi32, #tpu.memory_space<hbm>> -> memref<128xi32, #tpu.memory_space<hbm>>
    %dma_start3A_18 = arith.constant 0 : i32
    %dma_start3A_19 = tpu.memref_slice %arg9[%dma_start3A_13, %dma_start3A_18] : memref<4x128xi32, #tpu.memory_space<vmem>> -> memref<1x128xi32, #tpu.memory_space<vmem>>
    %dma_start3A_20 = tpu.memref_squeeze %dma_start3A_19 : memref<1x128xi32, #tpu.memory_space<vmem>> -> memref<128xi32, #tpu.memory_space<vmem>>
    %dma_start3A_21 = tpu.memref_slice %arg3[%add3A_4] : memref<16384xi32, #tpu.memory_space<hbm>> -> memref<128xi32, #tpu.memory_space<hbm>>
    tpu.enqueue_dma source(%dma_start3A_21 : memref<128xi32, #tpu.memory_space<hbm>>) target(%dma_start3A_20 : memref<128xi32, #tpu.memory_space<vmem>>) target_semaphore(%arg14 : memref<!tpu.dma_semaphore, #tpu.memory_space<semaphore_mem>>)
    %add3A_22 = arith.constant 128 : i32
    %add3A_23 = arith.addi %mul3A_2, %add3A_22 : i32
    %dma_start3A_24 = arith.constant 1 : i32
    %dma_start3A_25 = arith.constant 0 : i32
    %dma_start3A_26 = tpu.memref_slice %arg8[%dma_start3A_24, %dma_start3A_25] : memref<4x128xi32, #tpu.memory_space<vmem>> -> memref<1x128xi32, #tpu.memory_space<vmem>>
    %dma_start3A_27 = tpu.memref_squeeze %dma_start3A_26 : memref<1x128xi32, #tpu.memory_space<vmem>> -> memref<128xi32, #tpu.memory_space<vmem>>
    %dma_start3A_28 = tpu.memref_slice %arg2[%add3A_23] : memref<16384xi32, #tpu.memory_space<hbm>> -> memref<128xi32, #tpu.memory_space<hbm>>
    %dma_start3A_29 = arith.constant 0 : i32
    %dma_start3A_30 = tpu.memref_slice %arg8[%dma_start3A_24, %dma_start3A_29] : memref<4x128xi32, #tpu.memory_space<vmem>> -> memref<1x128xi32, #tpu.memory_space<vmem>>
    %dma_start3A_31 = tpu.memref_squeeze %dma_start3A_30 : memref<1x128xi32, #tpu.memory_space<vmem>> -> memref<128xi32, #tpu.memory_space<vmem>>
    %dma_start3A_32 = tpu.memref_slice %arg2[%add3A_23] : memref<16384xi32, #tpu.memory_space<hbm>> -> memref<128xi32, #tpu.memory_space<hbm>>
    tpu.enqueue_dma source(%dma_start3A_32 : memref<128xi32, #tpu.memory_space<hbm>>) target(%dma_start3A_31 : memref<128xi32, #tpu.memory_space<vmem>>) target_semaphore(%arg14 : memref<!tpu.dma_semaphore, #tpu.memory_space<semaphore_mem>>)
    %dma_start3A_33 = arith.constant 1 : i32
    %dma_start3A_34 = arith.constant 0 : i32
    %dma_start3A_35 = tpu.memref_slice %arg9[%dma_start3A_33, %dma_start3A_34] : memref<4x128xi32, #tpu.memory_space<vmem>> -> memref<1x128xi32, #tpu.memory_space<vmem>>
    %dma_start3A_36 = tpu.memref_squeeze %dma_start3A_35 : memref<1x128xi32, #tpu.memory_space<vmem>> -> memref<128xi32, #tpu.memory_space<vmem>>
    %dma_start3A_37 = tpu.memref_slice %arg3[%add3A_23] : memref<16384xi32, #tpu.memory_space<hbm>> -> memref<128xi32, #tpu.memory_space<hbm>>
    %dma_start3A_38 = arith.constant 0 : i32
    %dma_start3A_39 = tpu.memref_slice %arg9[%dma_start3A_33, %dma_start3A_38] : memref<4x128xi32, #tpu.memory_space<vmem>> -> memref<1x128xi32, #tpu.memory_space<vmem>>
    %dma_start3A_40 = tpu.memref_squeeze %dma_start3A_39 : memref<1x128xi32, #tpu.memory_space<vmem>> -> memref<128xi32, #tpu.memory_space<vmem>>
    %dma_start3A_41 = tpu.memref_slice %arg3[%add3A_23] : memref<16384xi32, #tpu.memory_space<hbm>> -> memref<128xi32, #tpu.memory_space<hbm>>
    tpu.enqueue_dma source(%dma_start3A_41 : memref<128xi32, #tpu.memory_space<hbm>>) target(%dma_start3A_40 : memref<128xi32, #tpu.memory_space<vmem>>) target_semaphore(%arg14 : memref<!tpu.dma_semaphore, #tpu.memory_space<semaphore_mem>>)
    %add3A_42 = arith.constant 256 : i32
    %add3A_43 = arith.addi %mul3A_2, %add3A_42 : i32
    %dma_start3A_44 = arith.constant 2 : i32
    %dma_start3A_45 = arith.constant 0 : i32
    %dma_start3A_46 = tpu.memref_slice %arg8[%dma_start3A_44, %dma_start3A_45] : memref<4x128xi32, #tpu.memory_space<vmem>> -> memref<1x128xi32, #tpu.memory_space<vmem>>
    %dma_start3A_47 = tpu.memref_squeeze %dma_start3A_46 : memref<1x128xi32, #tpu.memory_space<vmem>> -> memref<128xi32, #tpu.memory_space<vmem>>
    %dma_start3A_48 = tpu.memref_slice %arg2[%add3A_43] : memref<16384xi32, #tpu.memory_space<hbm>> -> memref<128xi32, #tpu.memory_space<hbm>>
    %dma_start3A_49 = arith.constant 0 : i32
    %dma_start3A_50 = tpu.memref_slice %arg8[%dma_start3A_44, %dma_start3A_49] : memref<4x128xi32, #tpu.memory_space<vmem>> -> memref<1x128xi32, #tpu.memory_space<vmem>>
    %dma_start3A_51 = tpu.memref_squeeze %dma_start3A_50 : memref<1x128xi32, #tpu.memory_space<vmem>> -> memref<128xi32, #tpu.memory_space<vmem>>
    %dma_start3A_52 = tpu.memref_slice %arg2[%add3A_43] : memref<16384xi32, #tpu.memory_space<hbm>> -> memref<128xi32, #tpu.memory_space<hbm>>
    tpu.enqueue_dma source(%dma_start3A_52 : memref<128xi32, #tpu.memory_space<hbm>>) target(%dma_start3A_51 : memref<128xi32, #tpu.memory_space<vmem>>) target_semaphore(%arg14 : memref<!tpu.dma_semaphore, #tpu.memory_space<semaphore_mem>>)
    %dma_start3A_53 = arith.constant 2 : i32
    %dma_start3A_54 = arith.constant 0 : i32
    %dma_start3A_55 = tpu.memref_slice %arg9[%dma_start3A_53, %dma_start3A_54] : memref<4x128xi32, #tpu.memory_space<vmem>> -> memref<1x128xi32, #tpu.memory_space<vmem>>
    %dma_start3A_56 = tpu.memref_squeeze %dma_start3A_55 : memref<1x128xi32, #tpu.memory_space<vmem>> -> memref<128xi32, #tpu.memory_space<vmem>>
    %dma_start3A_57 = tpu.memref_slice %arg3[%add3A_43] : memref<16384xi32, #tpu.memory_space<hbm>> -> memref<128xi32, #tpu.memory_space<hbm>>
    %dma_start3A_58 = arith.constant 0 : i32
    %dma_start3A_59 = tpu.memref_slice %arg9[%dma_start3A_53, %dma_start3A_58] : memref<4x128xi32, #tpu.memory_space<vmem>> -> memref<1x128xi32, #tpu.memory_space<vmem>>
    %dma_start3A_60 = tpu.memref_squeeze %dma_start3A_59 : memref<1x128xi32, #tpu.memory_space<vmem>> -> memref<128xi32, #tpu.memory_space<vmem>>
    %dma_start3A_61 = tpu.memref_slice %arg3[%add3A_43] : memref<16384xi32, #tpu.memory_space<hbm>> -> memref<128xi32, #tpu.memory_space<hbm>>
    tpu.enqueue_dma source(%dma_start3A_61 : memref<128xi32, #tpu.memory_space<hbm>>) target(%dma_start3A_60 : memref<128xi32, #tpu.memory_space<vmem>>) target_semaphore(%arg14 : memref<!tpu.dma_semaphore, #tpu.memory_space<semaphore_mem>>)
    %add3A_62 = arith.constant 384 : i32
    %add3A_63 = arith.addi %mul3A_2, %add3A_62 : i32
    %dma_start3A_64 = arith.constant 3 : i32
    %dma_start3A_65 = arith.constant 0 : i32
    %dma_start3A_66 = tpu.memref_slice %arg8[%dma_start3A_64, %dma_start3A_65] : memref<4x128xi32, #tpu.memory_space<vmem>> -> memref<1x128xi32, #tpu.memory_space<vmem>>
    %dma_start3A_67 = tpu.memref_squeeze %dma_start3A_66 : memref<1x128xi32, #tpu.memory_space<vmem>> -> memref<128xi32, #tpu.memory_space<vmem>>
    %dma_start3A_68 = tpu.memref_slice %arg2[%add3A_63] : memref<16384xi32, #tpu.memory_space<hbm>> -> memref<128xi32, #tpu.memory_space<hbm>>
    %dma_start3A_69 = arith.constant 0 : i32
    %dma_start3A_70 = tpu.memref_slice %arg8[%dma_start3A_64, %dma_start3A_69] : memref<4x128xi32, #tpu.memory_space<vmem>> -> memref<1x128xi32, #tpu.memory_space<vmem>>
    %dma_start3A_71 = tpu.memref_squeeze %dma_start3A_70 : memref<1x128xi32, #tpu.memory_space<vmem>> -> memref<128xi32, #tpu.memory_space<vmem>>
    %dma_start3A_72 = tpu.memref_slice %arg2[%add3A_63] : memref<16384xi32, #tpu.memory_space<hbm>> -> memref<128xi32, #tpu.memory_space<hbm>>
    tpu.enqueue_dma source(%dma_start3A_72 : memref<128xi32, #tpu.memory_space<hbm>>) target(%dma_start3A_71 : memref<128xi32, #tpu.memory_space<vmem>>) target_semaphore(%arg14 : memref<!tpu.dma_semaphore, #tpu.memory_space<semaphore_mem>>)
    %dma_start3A_73 = arith.constant 3 : i32
    %dma_start3A_74 = arith.constant 0 : i32
    %dma_start3A_75 = tpu.memref_slice %arg9[%dma_start3A_73, %dma_start3A_74] : memref<4x128xi32, #tpu.memory_space<vmem>> -> memref<1x128xi32, #tpu.memory_space<vmem>>
    %dma_start3A_76 = tpu.memref_squeeze %dma_start3A_75 : memref<1x128xi32, #tpu.memory_space<vmem>> -> memref<128xi32, #tpu.memory_space<vmem>>
    %dma_start3A_77 = tpu.memref_slice %arg3[%add3A_63] : memref<16384xi32, #tpu.memory_space<hbm>> -> memref<128xi32, #tpu.memory_space<hbm>>
    %dma_start3A_78 = arith.constant 0 : i32
    %dma_start3A_79 = tpu.memref_slice %arg9[%dma_start3A_73, %dma_start3A_78] : memref<4x128xi32, #tpu.memory_space<vmem>> -> memref<1x128xi32, #tpu.memory_space<vmem>>
    %dma_start3A_80 = tpu.memref_squeeze %dma_start3A_79 : memref<1x128xi32, #tpu.memory_space<vmem>> -> memref<128xi32, #tpu.memory_space<vmem>>
    %dma_start3A_81 = tpu.memref_slice %arg3[%add3A_63] : memref<16384xi32, #tpu.memory_space<hbm>> -> memref<128xi32, #tpu.memory_space<hbm>>
    tpu.enqueue_dma source(%dma_start3A_81 : memref<128xi32, #tpu.memory_space<hbm>>) target(%dma_start3A_80 : memref<128xi32, #tpu.memory_space<vmem>>) target_semaphore(%arg14 : memref<!tpu.dma_semaphore, #tpu.memory_space<semaphore_mem>>)
    %dma_wait3A = arith.constant 0 : i32
    %dma_wait3A_82 = arith.constant 0 : i32
    %dma_wait3A_83 = tpu.memref_slice %arg8[%dma_wait3A, %dma_wait3A_82] : memref<4x128xi32, #tpu.memory_space<vmem>> -> memref<1x128xi32, #tpu.memory_space<vmem>>
    %dma_wait3A_84 = tpu.memref_squeeze %dma_wait3A_83 : memref<1x128xi32, #tpu.memory_space<vmem>> -> memref<128xi32, #tpu.memory_space<vmem>>
    %dma_wait3A_85 = tpu.memref_slice %arg2[%add3A_4] : memref<16384xi32, #tpu.memory_space<hbm>> -> memref<128xi32, #tpu.memory_space<hbm>>
    %dma_wait3A_86 = arith.constant 0 : i32
    %dma_wait3A_87 = tpu.memref_slice %arg8[%dma_wait3A, %dma_wait3A_86] : memref<4x128xi32, #tpu.memory_space<vmem>> -> memref<1x128xi32, #tpu.memory_space<vmem>>
    %dma_wait3A_88 = tpu.memref_squeeze %dma_wait3A_87 : memref<1x128xi32, #tpu.memory_space<vmem>> -> memref<128xi32, #tpu.memory_space<vmem>>
    %dma_wait3A_89 = tpu.memref_slice %arg2[%add3A_4] : memref<16384xi32, #tpu.memory_space<hbm>> -> memref<128xi32, #tpu.memory_space<hbm>>
    tpu.wait_dma2 semaphore(%arg14 : memref<!tpu.dma_semaphore, #tpu.memory_space<semaphore_mem>>) src(%dma_wait3A_89 : memref<128xi32, #tpu.memory_space<hbm>>) dst(%dma_wait3A_88 : memref<128xi32, #tpu.memory_space<vmem>>)
    %dma_wait3A_90 = arith.constant 0 : i32
    %dma_wait3A_91 = arith.constant 0 : i32
    %dma_wait3A_92 = tpu.memref_slice %arg9[%dma_wait3A_90, %dma_wait3A_91] : memref<4x128xi32, #tpu.memory_space<vmem>> -> memref<1x128xi32, #tpu.memory_space<vmem>>
    %dma_wait3A_93 = tpu.memref_squeeze %dma_wait3A_92 : memref<1x128xi32, #tpu.memory_space<vmem>> -> memref<128xi32, #tpu.memory_space<vmem>>
    %dma_wait3A_94 = tpu.memref_slice %arg3[%add3A_4] : memref<16384xi32, #tpu.memory_space<hbm>> -> memref<128xi32, #tpu.memory_space<hbm>>
    %dma_wait3A_95 = arith.constant 0 : i32
    %dma_wait3A_96 = tpu.memref_slice %arg9[%dma_wait3A_90, %dma_wait3A_95] : memref<4x128xi32, #tpu.memory_space<vmem>> -> memref<1x128xi32, #tpu.memory_space<vmem>>
    %dma_wait3A_97 = tpu.memref_squeeze %dma_wait3A_96 : memref<1x128xi32, #tpu.memory_space<vmem>> -> memref<128xi32, #tpu.memory_space<vmem>>
    %dma_wait3A_98 = tpu.memref_slice %arg3[%add3A_4] : memref<16384xi32, #tpu.memory_space<hbm>> -> memref<128xi32, #tpu.memory_space<hbm>>
    tpu.wait_dma2 semaphore(%arg14 : memref<!tpu.dma_semaphore, #tpu.memory_space<semaphore_mem>>) src(%dma_wait3A_98 : memref<128xi32, #tpu.memory_space<hbm>>) dst(%dma_wait3A_97 : memref<128xi32, #tpu.memory_space<vmem>>)
    %dma_start3A_99 = arith.constant 0 : i32
    %dma_start3A_100 = arith.constant 0 : i32
    %dma_start3A_101 = arith.constant 0 : i32
    %dma_start3A_102 = arith.constant 0 : i32
    %dma_start3A_103 = tpu.memref_slice %arg10[%dma_start3A_101, %dma_start3A_102] : memref<4x128xf32, #tpu.memory_space<vmem>> -> memref<1x128xf32, #tpu.memory_space<vmem>>
    %dma_start3A_104 = tpu.memref_squeeze %dma_start3A_103 : memref<1x128xf32, #tpu.memory_space<vmem>> -> memref<128xf32, #tpu.memory_space<vmem>>
    %dma_start3A_105 = arith.constant 0 : i32
    %dma_start3A_106 = tpu.memref_slice %arg8[%dma_start3A_100, %dma_start3A_105] : memref<4x128xi32, #tpu.memory_space<vmem>> -> memref<1x128xi32, #tpu.memory_space<vmem>>
    %dma_start3A_107 = tpu.memref_squeeze %dma_start3A_106 : memref<1x128xi32, #tpu.memory_space<vmem>> -> memref<128xi32, #tpu.memory_space<vmem>>
    %dma_start3A_108 = arith.constant 0 : i32
    %dma_start3A_109 = tpu.memref_slice %arg4[%dma_start3A_99, %dma_start3A_108] : memref<1x1000000xf32, #tpu.memory_space<hbm>> -> memref<1x1000000xf32, #tpu.memory_space<hbm>>
    %dma_start3A_110 = tpu.memref_squeeze %dma_start3A_109 : memref<1x1000000xf32, #tpu.memory_space<hbm>> -> memref<1000000xf32, #tpu.memory_space<hbm>>
    %dma_start3A_111 = arith.constant 0 : i32
    %dma_start3A_112 = tpu.memref_slice %dma_start3A_110[%dma_start3A_111] : memref<1000000xf32, #tpu.memory_space<hbm>> -> memref<1000000xf32, #tpu.memory_space<hbm>>
    tpu.enqueue_indirect_dma source(%dma_start3A_112 : memref<1000000xf32, #tpu.memory_space<hbm>>) target(%dma_start3A_104 : memref<128xf32, #tpu.memory_space<vmem>>) offsets(%dma_start3A_107 : memref<128xi32, #tpu.memory_space<vmem>>) semaphore(%arg13 : memref<!tpu.dma_semaphore, #tpu.memory_space<semaphore_mem>>)
    %dma_start3A_113 = arith.constant 0 : i32
    %dma_start3A_114 = arith.constant 0 : i32
    %dma_start3A_115 = arith.constant 0 : i32
    %dma_start3A_116 = arith.constant 0 : i32
    %dma_start3A_117 = tpu.memref_slice %arg11[%dma_start3A_115, %dma_start3A_116] : memref<4x128xf32, #tpu.memory_space<vmem>> -> memref<1x128xf32, #tpu.memory_space<vmem>>
    %dma_start3A_118 = tpu.memref_squeeze %dma_start3A_117 : memref<1x128xf32, #tpu.memory_space<vmem>> -> memref<128xf32, #tpu.memory_space<vmem>>
    %dma_start3A_119 = arith.constant 0 : i32
    %dma_start3A_120 = tpu.memref_slice %arg9[%dma_start3A_114, %dma_start3A_119] : memref<4x128xi32, #tpu.memory_space<vmem>> -> memref<1x128xi32, #tpu.memory_space<vmem>>
    %dma_start3A_121 = tpu.memref_squeeze %dma_start3A_120 : memref<1x128xi32, #tpu.memory_space<vmem>> -> memref<128xi32, #tpu.memory_space<vmem>>
    %dma_start3A_122 = arith.constant 0 : i32
    %dma_start3A_123 = tpu.memref_slice %arg5[%dma_start3A_113, %dma_start3A_122] : memref<1x100000xf32, #tpu.memory_space<hbm>> -> memref<1x100000xf32, #tpu.memory_space<hbm>>
    %dma_start3A_124 = tpu.memref_squeeze %dma_start3A_123 : memref<1x100000xf32, #tpu.memory_space<hbm>> -> memref<100000xf32, #tpu.memory_space<hbm>>
    %dma_start3A_125 = arith.constant 0 : i32
    %dma_start3A_126 = tpu.memref_slice %dma_start3A_124[%dma_start3A_125] : memref<100000xf32, #tpu.memory_space<hbm>> -> memref<100000xf32, #tpu.memory_space<hbm>>
    tpu.enqueue_indirect_dma source(%dma_start3A_126 : memref<100000xf32, #tpu.memory_space<hbm>>) target(%dma_start3A_118 : memref<128xf32, #tpu.memory_space<vmem>>) offsets(%dma_start3A_121 : memref<128xi32, #tpu.memory_space<vmem>>) semaphore(%arg13 : memref<!tpu.dma_semaphore, #tpu.memory_space<semaphore_mem>>)
    %dma_wait3A_127 = arith.constant 1 : i32
    %dma_wait3A_128 = arith.constant 0 : i32
    %dma_wait3A_129 = tpu.memref_slice %arg8[%dma_wait3A_127, %dma_wait3A_128] : memref<4x128xi32, #tpu.memory_space<vmem>> -> memref<1x128xi32, #tpu.memory_space<vmem>>
    %dma_wait3A_130 = tpu.memref_squeeze %dma_wait3A_129 : memref<1x128xi32, #tpu.memory_space<vmem>> -> memref<128xi32, #tpu.memory_space<vmem>>
    %dma_wait3A_131 = tpu.memref_slice %arg2[%add3A_23] : memref<16384xi32, #tpu.memory_space<hbm>> -> memref<128xi32, #tpu.memory_space<hbm>>
    %dma_wait3A_132 = arith.constant 0 : i32
    %dma_wait3A_133 = tpu.memref_slice %arg8[%dma_wait3A_127, %dma_wait3A_132] : memref<4x128xi32, #tpu.memory_space<vmem>> -> memref<1x128xi32, #tpu.memory_space<vmem>>
    %dma_wait3A_134 = tpu.memref_squeeze %dma_wait3A_133 : memref<1x128xi32, #tpu.memory_space<vmem>> -> memref<128xi32, #tpu.memory_space<vmem>>
    %dma_wait3A_135 = tpu.memref_slice %arg2[%add3A_23] : memref<16384xi32, #tpu.memory_space<hbm>> -> memref<128xi32, #tpu.memory_space<hbm>>
    tpu.wait_dma2 semaphore(%arg14 : memref<!tpu.dma_semaphore, #tpu.memory_space<semaphore_mem>>) src(%dma_wait3A_135 : memref<128xi32, #tpu.memory_space<hbm>>) dst(%dma_wait3A_134 : memref<128xi32, #tpu.memory_space<vmem>>)
    %dma_wait3A_136 = arith.constant 1 : i32
    %dma_wait3A_137 = arith.constant 0 : i32
    %dma_wait3A_138 = tpu.memref_slice %arg9[%dma_wait3A_136, %dma_wait3A_137] : memref<4x128xi32, #tpu.memory_space<vmem>> -> memref<1x128xi32, #tpu.memory_space<vmem>>
    %dma_wait3A_139 = tpu.memref_squeeze %dma_wait3A_138 : memref<1x128xi32, #tpu.memory_space<vmem>> -> memref<128xi32, #tpu.memory_space<vmem>>
    %dma_wait3A_140 = tpu.memref_slice %arg3[%add3A_23] : memref<16384xi32, #tpu.memory_space<hbm>> -> memref<128xi32, #tpu.memory_space<hbm>>
    %dma_wait3A_141 = arith.constant 0 : i32
    %dma_wait3A_142 = tpu.memref_slice %arg9[%dma_wait3A_136, %dma_wait3A_141] : memref<4x128xi32, #tpu.memory_space<vmem>> -> memref<1x128xi32, #tpu.memory_space<vmem>>
    %dma_wait3A_143 = tpu.memref_squeeze %dma_wait3A_142 : memref<1x128xi32, #tpu.memory_space<vmem>> -> memref<128xi32, #tpu.memory_space<vmem>>
    %dma_wait3A_144 = tpu.memref_slice %arg3[%add3A_23] : memref<16384xi32, #tpu.memory_space<hbm>> -> memref<128xi32, #tpu.memory_space<hbm>>
    tpu.wait_dma2 semaphore(%arg14 : memref<!tpu.dma_semaphore, #tpu.memory_space<semaphore_mem>>) src(%dma_wait3A_144 : memref<128xi32, #tpu.memory_space<hbm>>) dst(%dma_wait3A_143 : memref<128xi32, #tpu.memory_space<vmem>>)
    %dma_start3A_145 = arith.constant 0 : i32
    %dma_start3A_146 = arith.constant 1 : i32
    %dma_start3A_147 = arith.constant 1 : i32
    %dma_start3A_148 = arith.constant 0 : i32
    %dma_start3A_149 = tpu.memref_slice %arg10[%dma_start3A_147, %dma_start3A_148] : memref<4x128xf32, #tpu.memory_space<vmem>> -> memref<1x128xf32, #tpu.memory_space<vmem>>
    %dma_start3A_150 = tpu.memref_squeeze %dma_start3A_149 : memref<1x128xf32, #tpu.memory_space<vmem>> -> memref<128xf32, #tpu.memory_space<vmem>>
    %dma_start3A_151 = arith.constant 0 : i32
    %dma_start3A_152 = tpu.memref_slice %arg8[%dma_start3A_146, %dma_start3A_151] : memref<4x128xi32, #tpu.memory_space<vmem>> -> memref<1x128xi32, #tpu.memory_space<vmem>>
    %dma_start3A_153 = tpu.memref_squeeze %dma_start3A_152 : memref<1x128xi32, #tpu.memory_space<vmem>> -> memref<128xi32, #tpu.memory_space<vmem>>
    %dma_start3A_154 = arith.constant 0 : i32
    %dma_start3A_155 = tpu.memref_slice %arg4[%dma_start3A_145, %dma_start3A_154] : memref<1x1000000xf32, #tpu.memory_space<hbm>> -> memref<1x1000000xf32, #tpu.memory_space<hbm>>
    %dma_start3A_156 = tpu.memref_squeeze %dma_start3A_155 : memref<1x1000000xf32, #tpu.memory_space<hbm>> -> memref<1000000xf32, #tpu.memory_space<hbm>>
    %dma_start3A_157 = arith.constant 0 : i32
    %dma_start3A_158 = tpu.memref_slice %dma_start3A_156[%dma_start3A_157] : memref<1000000xf32, #tpu.memory_space<hbm>> -> memref<1000000xf32, #tpu.memory_space<hbm>>
    tpu.enqueue_indirect_dma source(%dma_start3A_158 : memref<1000000xf32, #tpu.memory_space<hbm>>) target(%dma_start3A_150 : memref<128xf32, #tpu.memory_space<vmem>>) offsets(%dma_start3A_153 : memref<128xi32, #tpu.memory_space<vmem>>) semaphore(%arg13 : memref<!tpu.dma_semaphore, #tpu.memory_space<semaphore_mem>>)
    %dma_start3A_159 = arith.constant 0 : i32
    %dma_start3A_160 = arith.constant 1 : i32
    %dma_start3A_161 = arith.constant 1 : i32
    %dma_start3A_162 = arith.constant 0 : i32
    %dma_start3A_163 = tpu.memref_slice %arg11[%dma_start3A_161, %dma_start3A_162] : memref<4x128xf32, #tpu.memory_space<vmem>> -> memref<1x128xf32, #tpu.memory_space<vmem>>
    %dma_start3A_164 = tpu.memref_squeeze %dma_start3A_163 : memref<1x128xf32, #tpu.memory_space<vmem>> -> memref<128xf32, #tpu.memory_space<vmem>>
    %dma_start3A_165 = arith.constant 0 : i32
    %dma_start3A_166 = tpu.memref_slice %arg9[%dma_start3A_160, %dma_start3A_165] : memref<4x128xi32, #tpu.memory_space<vmem>> -> memref<1x128xi32, #tpu.memory_space<vmem>>
    %dma_start3A_167 = tpu.memref_squeeze %dma_start3A_166 : memref<1x128xi32, #tpu.memory_space<vmem>> -> memref<128xi32, #tpu.memory_space<vmem>>
    %dma_start3A_168 = arith.constant 0 : i32
    %dma_start3A_169 = tpu.memref_slice %arg5[%dma_start3A_159, %dma_start3A_168] : memref<1x100000xf32, #tpu.memory_space<hbm>> -> memref<1x100000xf32, #tpu.memory_space<hbm>>
    %dma_start3A_170 = tpu.memref_squeeze %dma_start3A_169 : memref<1x100000xf32, #tpu.memory_space<hbm>> -> memref<100000xf32, #tpu.memory_space<hbm>>
    %dma_start3A_171 = arith.constant 0 : i32
    %dma_start3A_172 = tpu.memref_slice %dma_start3A_170[%dma_start3A_171] : memref<100000xf32, #tpu.memory_space<hbm>> -> memref<100000xf32, #tpu.memory_space<hbm>>
    tpu.enqueue_indirect_dma source(%dma_start3A_172 : memref<100000xf32, #tpu.memory_space<hbm>>) target(%dma_start3A_164 : memref<128xf32, #tpu.memory_space<vmem>>) offsets(%dma_start3A_167 : memref<128xi32, #tpu.memory_space<vmem>>) semaphore(%arg13 : memref<!tpu.dma_semaphore, #tpu.memory_space<semaphore_mem>>)
    %dma_wait3A_173 = arith.constant 2 : i32
    %dma_wait3A_174 = arith.constant 0 : i32
    %dma_wait3A_175 = tpu.memref_slice %arg8[%dma_wait3A_173, %dma_wait3A_174] : memref<4x128xi32, #tpu.memory_space<vmem>> -> memref<1x128xi32, #tpu.memory_space<vmem>>
    %dma_wait3A_176 = tpu.memref_squeeze %dma_wait3A_175 : memref<1x128xi32, #tpu.memory_space<vmem>> -> memref<128xi32, #tpu.memory_space<vmem>>
    %dma_wait3A_177 = tpu.memref_slice %arg2[%add3A_43] : memref<16384xi32, #tpu.memory_space<hbm>> -> memref<128xi32, #tpu.memory_space<hbm>>
    %dma_wait3A_178 = arith.constant 0 : i32
    %dma_wait3A_179 = tpu.memref_slice %arg8[%dma_wait3A_173, %dma_wait3A_178] : memref<4x128xi32, #tpu.memory_space<vmem>> -> memref<1x128xi32, #tpu.memory_space<vmem>>
    %dma_wait3A_180 = tpu.memref_squeeze %dma_wait3A_179 : memref<1x128xi32, #tpu.memory_space<vmem>> -> memref<128xi32, #tpu.memory_space<vmem>>
    %dma_wait3A_181 = tpu.memref_slice %arg2[%add3A_43] : memref<16384xi32, #tpu.memory_space<hbm>> -> memref<128xi32, #tpu.memory_space<hbm>>
    tpu.wait_dma2 semaphore(%arg14 : memref<!tpu.dma_semaphore, #tpu.memory_space<semaphore_mem>>) src(%dma_wait3A_181 : memref<128xi32, #tpu.memory_space<hbm>>) dst(%dma_wait3A_180 : memref<128xi32, #tpu.memory_space<vmem>>)
    %dma_wait3A_182 = arith.constant 2 : i32
    %dma_wait3A_183 = arith.constant 0 : i32
    %dma_wait3A_184 = tpu.memref_slice %arg9[%dma_wait3A_182, %dma_wait3A_183] : memref<4x128xi32, #tpu.memory_space<vmem>> -> memref<1x128xi32, #tpu.memory_space<vmem>>
    %dma_wait3A_185 = tpu.memref_squeeze %dma_wait3A_184 : memref<1x128xi32, #tpu.memory_space<vmem>> -> memref<128xi32, #tpu.memory_space<vmem>>
    %dma_wait3A_186 = tpu.memref_slice %arg3[%add3A_43] : memref<16384xi32, #tpu.memory_space<hbm>> -> memref<128xi32, #tpu.memory_space<hbm>>
    %dma_wait3A_187 = arith.constant 0 : i32
    %dma_wait3A_188 = tpu.memref_slice %arg9[%dma_wait3A_182, %dma_wait3A_187] : memref<4x128xi32, #tpu.memory_space<vmem>> -> memref<1x128xi32, #tpu.memory_space<vmem>>
    %dma_wait3A_189 = tpu.memref_squeeze %dma_wait3A_188 : memref<1x128xi32, #tpu.memory_space<vmem>> -> memref<128xi32, #tpu.memory_space<vmem>>
    %dma_wait3A_190 = tpu.memref_slice %arg3[%add3A_43] : memref<16384xi32, #tpu.memory_space<hbm>> -> memref<128xi32, #tpu.memory_space<hbm>>
    tpu.wait_dma2 semaphore(%arg14 : memref<!tpu.dma_semaphore, #tpu.memory_space<semaphore_mem>>) src(%dma_wait3A_190 : memref<128xi32, #tpu.memory_space<hbm>>) dst(%dma_wait3A_189 : memref<128xi32, #tpu.memory_space<vmem>>)
    %dma_start3A_191 = arith.constant 0 : i32
    %dma_start3A_192 = arith.constant 2 : i32
    %dma_start3A_193 = arith.constant 2 : i32
    %dma_start3A_194 = arith.constant 0 : i32
    %dma_start3A_195 = tpu.memref_slice %arg10[%dma_start3A_193, %dma_start3A_194] : memref<4x128xf32, #tpu.memory_space<vmem>> -> memref<1x128xf32, #tpu.memory_space<vmem>>
    %dma_start3A_196 = tpu.memref_squeeze %dma_start3A_195 : memref<1x128xf32, #tpu.memory_space<vmem>> -> memref<128xf32, #tpu.memory_space<vmem>>
    %dma_start3A_197 = arith.constant 0 : i32
    %dma_start3A_198 = tpu.memref_slice %arg8[%dma_start3A_192, %dma_start3A_197] : memref<4x128xi32, #tpu.memory_space<vmem>> -> memref<1x128xi32, #tpu.memory_space<vmem>>
    %dma_start3A_199 = tpu.memref_squeeze %dma_start3A_198 : memref<1x128xi32, #tpu.memory_space<vmem>> -> memref<128xi32, #tpu.memory_space<vmem>>
    %dma_start3A_200 = arith.constant 0 : i32
    %dma_start3A_201 = tpu.memref_slice %arg4[%dma_start3A_191, %dma_start3A_200] : memref<1x1000000xf32, #tpu.memory_space<hbm>> -> memref<1x1000000xf32, #tpu.memory_space<hbm>>
    %dma_start3A_202 = tpu.memref_squeeze %dma_start3A_201 : memref<1x1000000xf32, #tpu.memory_space<hbm>> -> memref<1000000xf32, #tpu.memory_space<hbm>>
    %dma_start3A_203 = arith.constant 0 : i32
    %dma_start3A_204 = tpu.memref_slice %dma_start3A_202[%dma_start3A_203] : memref<1000000xf32, #tpu.memory_space<hbm>> -> memref<1000000xf32, #tpu.memory_space<hbm>>
    tpu.enqueue_indirect_dma source(%dma_start3A_204 : memref<1000000xf32, #tpu.memory_space<hbm>>) target(%dma_start3A_196 : memref<128xf32, #tpu.memory_space<vmem>>) offsets(%dma_start3A_199 : memref<128xi32, #tpu.memory_space<vmem>>) semaphore(%arg13 : memref<!tpu.dma_semaphore, #tpu.memory_space<semaphore_mem>>)
    %dma_start3A_205 = arith.constant 0 : i32
    %dma_start3A_206 = arith.constant 2 : i32
    %dma_start3A_207 = arith.constant 2 : i32
    %dma_start3A_208 = arith.constant 0 : i32
    %dma_start3A_209 = tpu.memref_slice %arg11[%dma_start3A_207, %dma_start3A_208] : memref<4x128xf32, #tpu.memory_space<vmem>> -> memref<1x128xf32, #tpu.memory_space<vmem>>
    %dma_start3A_210 = tpu.memref_squeeze %dma_start3A_209 : memref<1x128xf32, #tpu.memory_space<vmem>> -> memref<128xf32, #tpu.memory_space<vmem>>
    %dma_start3A_211 = arith.constant 0 : i32
    %dma_start3A_212 = tpu.memref_slice %arg9[%dma_start3A_206, %dma_start3A_211] : memref<4x128xi32, #tpu.memory_space<vmem>> -> memref<1x128xi32, #tpu.memory_space<vmem>>
    %dma_start3A_213 = tpu.memref_squeeze %dma_start3A_212 : memref<1x128xi32, #tpu.memory_space<vmem>> -> memref<128xi32, #tpu.memory_space<vmem>>
    %dma_start3A_214 = arith.constant 0 : i32
    %dma_start3A_215 = tpu.memref_slice %arg5[%dma_start3A_205, %dma_start3A_214] : memref<1x100000xf32, #tpu.memory_space<hbm>> -> memref<1x100000xf32, #tpu.memory_space<hbm>>
    %dma_start3A_216 = tpu.memref_squeeze %dma_start3A_215 : memref<1x100000xf32, #tpu.memory_space<hbm>> -> memref<100000xf32, #tpu.memory_space<hbm>>
    %dma_start3A_217 = arith.constant 0 : i32
    %dma_start3A_218 = tpu.memref_slice %dma_start3A_216[%dma_start3A_217] : memref<100000xf32, #tpu.memory_space<hbm>> -> memref<100000xf32, #tpu.memory_space<hbm>>
    tpu.enqueue_indirect_dma source(%dma_start3A_218 : memref<100000xf32, #tpu.memory_space<hbm>>) target(%dma_start3A_210 : memref<128xf32, #tpu.memory_space<vmem>>) offsets(%dma_start3A_213 : memref<128xi32, #tpu.memory_space<vmem>>) semaphore(%arg13 : memref<!tpu.dma_semaphore, #tpu.memory_space<semaphore_mem>>)
    %dma_wait3A_219 = arith.constant 3 : i32
    %dma_wait3A_220 = arith.constant 0 : i32
    %dma_wait3A_221 = tpu.memref_slice %arg8[%dma_wait3A_219, %dma_wait3A_220] : memref<4x128xi32, #tpu.memory_space<vmem>> -> memref<1x128xi32, #tpu.memory_space<vmem>>
    %dma_wait3A_222 = tpu.memref_squeeze %dma_wait3A_221 : memref<1x128xi32, #tpu.memory_space<vmem>> -> memref<128xi32, #tpu.memory_space<vmem>>
    %dma_wait3A_223 = tpu.memref_slice %arg2[%add3A_63] : memref<16384xi32, #tpu.memory_space<hbm>> -> memref<128xi32, #tpu.memory_space<hbm>>
    %dma_wait3A_224 = arith.constant 0 : i32
    %dma_wait3A_225 = tpu.memref_slice %arg8[%dma_wait3A_219, %dma_wait3A_224] : memref<4x128xi32, #tpu.memory_space<vmem>> -> memref<1x128xi32, #tpu.memory_space<vmem>>
    %dma_wait3A_226 = tpu.memref_squeeze %dma_wait3A_225 : memref<1x128xi32, #tpu.memory_space<vmem>> -> memref<128xi32, #tpu.memory_space<vmem>>
    %dma_wait3A_227 = tpu.memref_slice %arg2[%add3A_63] : memref<16384xi32, #tpu.memory_space<hbm>> -> memref<128xi32, #tpu.memory_space<hbm>>
    tpu.wait_dma2 semaphore(%arg14 : memref<!tpu.dma_semaphore, #tpu.memory_space<semaphore_mem>>) src(%dma_wait3A_227 : memref<128xi32, #tpu.memory_space<hbm>>) dst(%dma_wait3A_226 : memref<128xi32, #tpu.memory_space<vmem>>)
    %dma_wait3A_228 = arith.constant 3 : i32
    %dma_wait3A_229 = arith.constant 0 : i32
    %dma_wait3A_230 = tpu.memref_slice %arg9[%dma_wait3A_228, %dma_wait3A_229] : memref<4x128xi32, #tpu.memory_space<vmem>> -> memref<1x128xi32, #tpu.memory_space<vmem>>
    %dma_wait3A_231 = tpu.memref_squeeze %dma_wait3A_230 : memref<1x128xi32, #tpu.memory_space<vmem>> -> memref<128xi32, #tpu.memory_space<vmem>>
    %dma_wait3A_232 = tpu.memref_slice %arg3[%add3A_63] : memref<16384xi32, #tpu.memory_space<hbm>> -> memref<128xi32, #tpu.memory_space<hbm>>
    %dma_wait3A_233 = arith.constant 0 : i32
    %dma_wait3A_234 = tpu.memref_slice %arg9[%dma_wait3A_228, %dma_wait3A_233] : memref<4x128xi32, #tpu.memory_space<vmem>> -> memref<1x128xi32, #tpu.memory_space<vmem>>
    %dma_wait3A_235 = tpu.memref_squeeze %dma_wait3A_234 : memref<1x128xi32, #tpu.memory_space<vmem>> -> memref<128xi32, #tpu.memory_space<vmem>>
    %dma_wait3A_236 = tpu.memref_slice %arg3[%add3A_63] : memref<16384xi32, #tpu.memory_space<hbm>> -> memref<128xi32, #tpu.memory_space<hbm>>
    tpu.wait_dma2 semaphore(%arg14 : memref<!tpu.dma_semaphore, #tpu.memory_space<semaphore_mem>>) src(%dma_wait3A_236 : memref<128xi32, #tpu.memory_space<hbm>>) dst(%dma_wait3A_235 : memref<128xi32, #tpu.memory_space<vmem>>)
    %dma_start3A_237 = arith.constant 0 : i32
    %dma_start3A_238 = arith.constant 3 : i32
    %dma_start3A_239 = arith.constant 3 : i32
    %dma_start3A_240 = arith.constant 0 : i32
    %dma_start3A_241 = tpu.memref_slice %arg10[%dma_start3A_239, %dma_start3A_240] : memref<4x128xf32, #tpu.memory_space<vmem>> -> memref<1x128xf32, #tpu.memory_space<vmem>>
    %dma_start3A_242 = tpu.memref_squeeze %dma_start3A_241 : memref<1x128xf32, #tpu.memory_space<vmem>> -> memref<128xf32, #tpu.memory_space<vmem>>
    %dma_start3A_243 = arith.constant 0 : i32
    %dma_start3A_244 = tpu.memref_slice %arg8[%dma_start3A_238, %dma_start3A_243] : memref<4x128xi32, #tpu.memory_space<vmem>> -> memref<1x128xi32, #tpu.memory_space<vmem>>
    %dma_start3A_245 = tpu.memref_squeeze %dma_start3A_244 : memref<1x128xi32, #tpu.memory_space<vmem>> -> memref<128xi32, #tpu.memory_space<vmem>>
    %dma_start3A_246 = arith.constant 0 : i32
    %dma_start3A_247 = tpu.memref_slice %arg4[%dma_start3A_237, %dma_start3A_246] : memref<1x1000000xf32, #tpu.memory_space<hbm>> -> memref<1x1000000xf32, #tpu.memory_space<hbm>>
    %dma_start3A_248 = tpu.memref_squeeze %dma_start3A_247 : memref<1x1000000xf32, #tpu.memory_space<hbm>> -> memref<1000000xf32, #tpu.memory_space<hbm>>
    %dma_start3A_249 = arith.constant 0 : i32
    %dma_start3A_250 = tpu.memref_slice %dma_start3A_248[%dma_start3A_249] : memref<1000000xf32, #tpu.memory_space<hbm>> -> memref<1000000xf32, #tpu.memory_space<hbm>>
    tpu.enqueue_indirect_dma source(%dma_start3A_250 : memref<1000000xf32, #tpu.memory_space<hbm>>) target(%dma_start3A_242 : memref<128xf32, #tpu.memory_space<vmem>>) offsets(%dma_start3A_245 : memref<128xi32, #tpu.memory_space<vmem>>) semaphore(%arg13 : memref<!tpu.dma_semaphore, #tpu.memory_space<semaphore_mem>>)
    %dma_start3A_251 = arith.constant 0 : i32
    %dma_start3A_252 = arith.constant 3 : i32
    %dma_start3A_253 = arith.constant 3 : i32
    %dma_start3A_254 = arith.constant 0 : i32
    %dma_start3A_255 = tpu.memref_slice %arg11[%dma_start3A_253, %dma_start3A_254] : memref<4x128xf32, #tpu.memory_space<vmem>> -> memref<1x128xf32, #tpu.memory_space<vmem>>
    %dma_start3A_256 = tpu.memref_squeeze %dma_start3A_255 : memref<1x128xf32, #tpu.memory_space<vmem>> -> memref<128xf32, #tpu.memory_space<vmem>>
    %dma_start3A_257 = arith.constant 0 : i32
    %dma_start3A_258 = tpu.memref_slice %arg9[%dma_start3A_252, %dma_start3A_257] : memref<4x128xi32, #tpu.memory_space<vmem>> -> memref<1x128xi32, #tpu.memory_space<vmem>>
    %dma_start3A_259 = tpu.memref_squeeze %dma_start3A_258 : memref<1x128xi32, #tpu.memory_space<vmem>> -> memref<128xi32, #tpu.memory_space<vmem>>
    %dma_start3A_260 = arith.constant 0 : i32
    %dma_start3A_261 = tpu.memref_slice %arg5[%dma_start3A_251, %dma_start3A_260] : memref<1x100000xf32, #tpu.memory_space<hbm>> -> memref<1x100000xf32, #tpu.memory_space<hbm>>
    %dma_start3A_262 = tpu.memref_squeeze %dma_start3A_261 : memref<1x100000xf32, #tpu.memory_space<hbm>> -> memref<100000xf32, #tpu.memory_space<hbm>>
    %dma_start3A_263 = arith.constant 0 : i32
    %dma_start3A_264 = tpu.memref_slice %dma_start3A_262[%dma_start3A_263] : memref<100000xf32, #tpu.memory_space<hbm>> -> memref<100000xf32, #tpu.memory_space<hbm>>
    tpu.enqueue_indirect_dma source(%dma_start3A_264 : memref<100000xf32, #tpu.memory_space<hbm>>) target(%dma_start3A_256 : memref<128xf32, #tpu.memory_space<vmem>>) offsets(%dma_start3A_259 : memref<128xi32, #tpu.memory_space<vmem>>) semaphore(%arg13 : memref<!tpu.dma_semaphore, #tpu.memory_space<semaphore_mem>>)
    tpu.wait_dma2 semaphore(%arg14 : memref<!tpu.dma_semaphore, #tpu.memory_space<semaphore_mem>>) src(%arg6 : memref<16xf32, #tpu.memory_space<hbm>>) dst(%arg12 : memref<16xf32, #tpu.memory_space<vmem>>)
    %get3A = arith.constant 0 : index
    %get3A_265 = tpu.vector_load %arg12[%get3A] {strides = array<i32>} : memref<16xf32, #tpu.memory_space<vmem>>, vector<16xf32>,
    %get3A_266 = vector.shape_cast %get3A_265 : vector<16xf32> to vector<16xf32>
    %dma_wait3A_267 = arith.constant 0 : i32
    %dma_wait3A_268 = arith.constant 0 : i32
    %dma_wait3A_269 = arith.constant 0 : i32
    %dma_wait3A_270 = arith.constant 0 : i32
    %dma_wait3A_271 = tpu.memref_slice %arg10[%dma_wait3A_269, %dma_wait3A_270] : memref<4x128xf32, #tpu.memory_space<vmem>> -> memref<1x128xf32, #tpu.memory_space<vmem>>
    %dma_wait3A_272 = tpu.memref_squeeze %dma_wait3A_271 : memref<1x128xf32, #tpu.memory_space<vmem>> -> memref<128xf32, #tpu.memory_space<vmem>>
    %dma_wait3A_273 = arith.constant 0 : i32
    %dma_wait3A_274 = tpu.memref_slice %arg8[%dma_wait3A_268, %dma_wait3A_273] : memref<4x128xi32, #tpu.memory_space<vmem>> -> memref<1x128xi32, #tpu.memory_space<vmem>>
    %dma_wait3A_275 = tpu.memref_squeeze %dma_wait3A_274 : memref<1x128xi32, #tpu.memory_space<vmem>> -> memref<128xi32, #tpu.memory_space<vmem>>
    %dma_wait3A_276 = arith.constant 0 : i32
    %dma_wait3A_277 = tpu.memref_slice %arg4[%dma_wait3A_267, %dma_wait3A_276] : memref<1x1000000xf32, #tpu.memory_space<hbm>> -> memref<1x1000000xf32, #tpu.memory_space<hbm>>
    %dma_wait3A_278 = tpu.memref_squeeze %dma_wait3A_277 : memref<1x1000000xf32, #tpu.memory_space<hbm>> -> memref<1000000xf32, #tpu.memory_space<hbm>>
    %dma_wait3A_279 = arith.constant 0 : i32
    %dma_wait3A_280 = tpu.memref_slice %dma_wait3A_278[%dma_wait3A_279] : memref<1000000xf32, #tpu.memory_space<hbm>> -> memref<1000000xf32, #tpu.memory_space<hbm>>
    tpu.wait_indirect_dma semaphore(%arg13 : memref<!tpu.dma_semaphore, #tpu.memory_space<semaphore_mem>>) src(%dma_wait3A_280 : memref<1000000xf32, #tpu.memory_space<hbm>>) dst(%dma_wait3A_272 : memref<128xf32, #tpu.memory_space<vmem>>)
    %dma_wait3A_281 = arith.constant 0 : i32
    %dma_wait3A_282 = arith.constant 0 : i32
    %dma_wait3A_283 = arith.constant 0 : i32
    %dma_wait3A_284 = arith.constant 0 : i32
    %dma_wait3A_285 = tpu.memref_slice %arg11[%dma_wait3A_283, %dma_wait3A_284] : memref<4x128xf32, #tpu.memory_space<vmem>> -> memref<1x128xf32, #tpu.memory_space<vmem>>
    %dma_wait3A_286 = tpu.memref_squeeze %dma_wait3A_285 : memref<1x128xf32, #tpu.memory_space<vmem>> -> memref<128xf32, #tpu.memory_space<vmem>>
    %dma_wait3A_287 = arith.constant 0 : i32
    %dma_wait3A_288 = tpu.memref_slice %arg9[%dma_wait3A_282, %dma_wait3A_287] : memref<4x128xi32, #tpu.memory_space<vmem>> -> memref<1x128xi32, #tpu.memory_space<vmem>>
    %dma_wait3A_289 = tpu.memref_squeeze %dma_wait3A_288 : memref<1x128xi32, #tpu.memory_space<vmem>> -> memref<128xi32, #tpu.memory_space<vmem>>
    %dma_wait3A_290 = arith.constant 0 : i32
    %dma_wait3A_291 = tpu.memref_slice %arg5[%dma_wait3A_281, %dma_wait3A_290] : memref<1x100000xf32, #tpu.memory_space<hbm>> -> memref<1x100000xf32, #tpu.memory_space<hbm>>
    %dma_wait3A_292 = tpu.memref_squeeze %dma_wait3A_291 : memref<1x100000xf32, #tpu.memory_space<hbm>> -> memref<100000xf32, #tpu.memory_space<hbm>>
    %dma_wait3A_293 = arith.constant 0 : i32
    %dma_wait3A_294 = tpu.memref_slice %dma_wait3A_292[%dma_wait3A_293] : memref<100000xf32, #tpu.memory_space<hbm>> -> memref<100000xf32, #tpu.memory_space<hbm>>
    tpu.wait_indirect_dma semaphore(%arg13 : memref<!tpu.dma_semaphore, #tpu.memory_space<semaphore_mem>>) src(%dma_wait3A_294 : memref<100000xf32, #tpu.memory_space<hbm>>) dst(%dma_wait3A_286 : memref<128xf32, #tpu.memory_space<vmem>>)
    %get3A_295 = arith.constant 0 : i32
    %get3A_296 = arith.index_cast %get3A_295 : i32 to index
    %get3A_297 = arith.constant 0 : index
    %get3A_298 = tpu.vector_load %arg10[%get3A_296, %get3A_297] {strides = array<i32>} : memref<4x128xf32, #tpu.memory_space<vmem>>, vector<1x16xf32>,
    %get3A_299 = vector.shape_cast %get3A_298 : vector<1x16xf32> to vector<16xf32>
    %get3A_300 = arith.constant 0 : i32
    %get3A_301 = arith.index_cast %get3A_300 : i32 to index
    %get3A_302 = arith.constant 0 : index
    %get3A_303 = tpu.vector_load %arg11[%get3A_301, %get3A_302] {strides = array<i32>} : memref<4x128xf32, #tpu.memory_space<vmem>>, vector<1x16xf32>,
    %get3A_304 = vector.shape_cast %get3A_303 : vector<1x16xf32> to vector<16xf32>
    %add3A_305 = arith.addf %get3A_299, %get3A_304 : vector<16xf32>
    %add3A_306 = arith.addf %add3A_305, %get3A_266 : vector<16xf32>
    %swap3A = arith.constant 0 : i32
    %swap3A_307 = arith.index_cast %swap3A : i32 to index
    %swap3A_308 = arith.constant 0 : index
    %swap3A_309 = tpu.vector_load %arg10[%swap3A_307, %swap3A_308] {strides = array<i32>} : memref<4x128xf32, #tpu.memory_space<vmem>>, vector<1x16xf32>,
    %swap3A_310 = vector.shape_cast %swap3A_309 : vector<1x16xf32> to vector<16xf32>
    %swap3A_311 = vector.shape_cast %add3A_306 : vector<16xf32> to vector<1x16xf32>
    tpu.vector_store %arg10[%swap3A_307, %swap3A_308], %swap3A_311 {strides = array<i32>} : memref<4x128xf32, #tpu.memory_space<vmem>>, vector<1x16xf32>,
    %get3A_312 = arith.constant 0 : i32
    %get3A_313 = arith.index_cast %get3A_312 : i32 to index
    %get3A_314 = arith.constant 16 : index
    %get3A_315 = tpu.vector_load %arg10[%get3A_313, %get3A_314] {strides = array<i32>} : memref<4x128xf32, #tpu.memory_space<vmem>>, vector<1x16xf32>,
    %get3A_316 = vector.shape_cast %get3A_315 : vector<1x16xf32> to vector<16xf32>
    %get3A_317 = arith.constant 0 : i32
    %get3A_318 = arith.index_cast %get3A_317 : i32 to index
    %get3A_319 = arith.constant 16 : index
    %get3A_320 = tpu.vector_load %arg11[%get3A_318, %get3A_319] {strides = array<i32>} : memref<4x128xf32, #tpu.memory_space<vmem>>, vector<1x16xf32>,
    %get3A_321 = vector.shape_cast %get3A_320 : vector<1x16xf32> to vector<16xf32>
    %add3A_322 = arith.addf %get3A_316, %get3A_321 : vector<16xf32>
    %add3A_323 = arith.addf %add3A_322, %get3A_266 : vector<16xf32>
    %swap3A_324 = arith.constant 0 : i32
    %swap3A_325 = arith.index_cast %swap3A_324 : i32 to index
    %swap3A_326 = arith.constant 16 : index
    %swap3A_327 = tpu.vector_load %arg10[%swap3A_325, %swap3A_326] {strides = array<i32>} : memref<4x128xf32, #tpu.memory_space<vmem>>, vector<1x16xf32>,
    %swap3A_328 = vector.shape_cast %swap3A_327 : vector<1x16xf32> to vector<16xf32>
    %swap3A_329 = vector.shape_cast %add3A_323 : vector<16xf32> to vector<1x16xf32>
    tpu.vector_store %arg10[%swap3A_325, %swap3A_326], %swap3A_329 {strides = array<i32>} : memref<4x128xf32, #tpu.memory_space<vmem>>, vector<1x16xf32>,
    %get3A_330 = arith.constant 0 : i32
    %get3A_331 = arith.index_cast %get3A_330 : i32 to index
    %get3A_332 = arith.constant 32 : index
    %get3A_333 = tpu.vector_load %arg10[%get3A_331, %get3A_332] {strides = array<i32>} : memref<4x128xf32, #tpu.memory_space<vmem>>, vector<1x16xf32>,
    %get3A_334 = vector.shape_cast %get3A_333 : vector<1x16xf32> to vector<16xf32>
    %get3A_335 = arith.constant 0 : i32
    %get3A_336 = arith.index_cast %get3A_335 : i32 to index
    %get3A_337 = arith.constant 32 : index
    %get3A_338 = tpu.vector_load %arg11[%get3A_336, %get3A_337] {strides = array<i32>} : memref<4x128xf32, #tpu.memory_space<vmem>>, vector<1x16xf32>,
    %get3A_339 = vector.shape_cast %get3A_338 : vector<1x16xf32> to vector<16xf32>
    %add3A_340 = arith.addf %get3A_334, %get3A_339 : vector<16xf32>
    %add3A_341 = arith.addf %add3A_340, %get3A_266 : vector<16xf32>
    %swap3A_342 = arith.constant 0 : i32
    %swap3A_343 = arith.index_cast %swap3A_342 : i32 to index
    %swap3A_344 = arith.constant 32 : index
    %swap3A_345 = tpu.vector_load %arg10[%swap3A_343, %swap3A_344] {strides = array<i32>} : memref<4x128xf32, #tpu.memory_space<vmem>>, vector<1x16xf32>,
    %swap3A_346 = vector.shape_cast %swap3A_345 : vector<1x16xf32> to vector<16xf32>
    %swap3A_347 = vector.shape_cast %add3A_341 : vector<16xf32> to vector<1x16xf32>
    tpu.vector_store %arg10[%swap3A_343, %swap3A_344], %swap3A_347 {strides = array<i32>} : memref<4x128xf32, #tpu.memory_space<vmem>>, vector<1x16xf32>,
    %get3A_348 = arith.constant 0 : i32
    %get3A_349 = arith.index_cast %get3A_348 : i32 to index
    %get3A_350 = arith.constant 48 : index
    %get3A_351 = tpu.vector_load %arg10[%get3A_349, %get3A_350] {strides = array<i32>} : memref<4x128xf32, #tpu.memory_space<vmem>>, vector<1x16xf32>,
    %get3A_352 = vector.shape_cast %get3A_351 : vector<1x16xf32> to vector<16xf32>
    %get3A_353 = arith.constant 0 : i32
    %get3A_354 = arith.index_cast %get3A_353 : i32 to index
    %get3A_355 = arith.constant 48 : index
    %get3A_356 = tpu.vector_load %arg11[%get3A_354, %get3A_355] {strides = array<i32>} : memref<4x128xf32, #tpu.memory_space<vmem>>, vector<1x16xf32>,
    %get3A_357 = vector.shape_cast %get3A_356 : vector<1x16xf32> to vector<16xf32>
    %add3A_358 = arith.addf %get3A_352, %get3A_357 : vector<16xf32>
    %add3A_359 = arith.addf %add3A_358, %get3A_266 : vector<16xf32>
    %swap3A_360 = arith.constant 0 : i32
    %swap3A_361 = arith.index_cast %swap3A_360 : i32 to index
    %swap3A_362 = arith.constant 48 : index
    %swap3A_363 = tpu.vector_load %arg10[%swap3A_361, %swap3A_362] {strides = array<i32>} : memref<4x128xf32, #tpu.memory_space<vmem>>, vector<1x16xf32>,
    %swap3A_364 = vector.shape_cast %swap3A_363 : vector<1x16xf32> to vector<16xf32>
    %swap3A_365 = vector.shape_cast %add3A_359 : vector<16xf32> to vector<1x16xf32>
    tpu.vector_store %arg10[%swap3A_361, %swap3A_362], %swap3A_365 {strides = array<i32>} : memref<4x128xf32, #tpu.memory_space<vmem>>, vector<1x16xf32>,
    %get3A_366 = arith.constant 0 : i32
    %get3A_367 = arith.index_cast %get3A_366 : i32 to index
    %get3A_368 = arith.constant 64 : index
    %get3A_369 = tpu.vector_load %arg10[%get3A_367, %get3A_368] {strides = array<i32>} : memref<4x128xf32, #tpu.memory_space<vmem>>, vector<1x16xf32>,
    %get3A_370 = vector.shape_cast %get3A_369 : vector<1x16xf32> to vector<16xf32>
    %get3A_371 = arith.constant 0 : i32
    %get3A_372 = arith.index_cast %get3A_371 : i32 to index
    %get3A_373 = arith.constant 64 : index
    %get3A_374 = tpu.vector_load %arg11[%get3A_372, %get3A_373] {strides = array<i32>} : memref<4x128xf32, #tpu.memory_space<vmem>>, vector<1x16xf32>,
    %get3A_375 = vector.shape_cast %get3A_374 : vector<1x16xf32> to vector<16xf32>
    %add3A_376 = arith.addf %get3A_370, %get3A_375 : vector<16xf32>
    %add3A_377 = arith.addf %add3A_376, %get3A_266 : vector<16xf32>
    %swap3A_378 = arith.constant 0 : i32
    %swap3A_379 = arith.index_cast %swap3A_378 : i32 to index
    %swap3A_380 = arith.constant 64 : index
    %swap3A_381 = tpu.vector_load %arg10[%swap3A_379, %swap3A_380] {strides = array<i32>} : memref<4x128xf32, #tpu.memory_space<vmem>>, vector<1x16xf32>,
    %swap3A_382 = vector.shape_cast %swap3A_381 : vector<1x16xf32> to vector<16xf32>
    %swap3A_383 = vector.shape_cast %add3A_377 : vector<16xf32> to vector<1x16xf32>
    tpu.vector_store %arg10[%swap3A_379, %swap3A_380], %swap3A_383 {strides = array<i32>} : memref<4x128xf32, #tpu.memory_space<vmem>>, vector<1x16xf32>,
    %get3A_384 = arith.constant 0 : i32
    %get3A_385 = arith.index_cast %get3A_384 : i32 to index
    %get3A_386 = arith.constant 80 : index
    %get3A_387 = tpu.vector_load %arg10[%get3A_385, %get3A_386] {strides = array<i32>} : memref<4x128xf32, #tpu.memory_space<vmem>>, vector<1x16xf32>,
    %get3A_388 = vector.shape_cast %get3A_387 : vector<1x16xf32> to vector<16xf32>
    %get3A_389 = arith.constant 0 : i32
    %get3A_390 = arith.index_cast %get3A_389 : i32 to index
    %get3A_391 = arith.constant 80 : index
    %get3A_392 = tpu.vector_load %arg11[%get3A_390, %get3A_391] {strides = array<i32>} : memref<4x128xf32, #tpu.memory_space<vmem>>, vector<1x16xf32>,
    %get3A_393 = vector.shape_cast %get3A_392 : vector<1x16xf32> to vector<16xf32>
    %add3A_394 = arith.addf %get3A_388, %get3A_393 : vector<16xf32>
    %add3A_395 = arith.addf %add3A_394, %get3A_266 : vector<16xf32>
    %swap3A_396 = arith.constant 0 : i32
    %swap3A_397 = arith.index_cast %swap3A_396 : i32 to index
    %swap3A_398 = arith.constant 80 : index
    %swap3A_399 = tpu.vector_load %arg10[%swap3A_397, %swap3A_398] {strides = array<i32>} : memref<4x128xf32, #tpu.memory_space<vmem>>, vector<1x16xf32>,
    %swap3A_400 = vector.shape_cast %swap3A_399 : vector<1x16xf32> to vector<16xf32>
    %swap3A_401 = vector.shape_cast %add3A_395 : vector<16xf32> to vector<1x16xf32>
    tpu.vector_store %arg10[%swap3A_397, %swap3A_398], %swap3A_401 {strides = array<i32>} : memref<4x128xf32, #tpu.memory_space<vmem>>, vector<1x16xf32>,
    %get3A_402 = arith.constant 0 : i32
    %get3A_403 = arith.index_cast %get3A_402 : i32 to index
    %get3A_404 = arith.constant 96 : index
    %get3A_405 = tpu.vector_load %arg10[%get3A_403, %get3A_404] {strides = array<i32>} : memref<4x128xf32, #tpu.memory_space<vmem>>, vector<1x16xf32>,
    %get3A_406 = vector.shape_cast %get3A_405 : vector<1x16xf32> to vector<16xf32>
    %get3A_407 = arith.constant 0 : i32
    %get3A_408 = arith.index_cast %get3A_407 : i32 to index
    %get3A_409 = arith.constant 96 : index
    %get3A_410 = tpu.vector_load %arg11[%get3A_408, %get3A_409] {strides = array<i32>} : memref<4x128xf32, #tpu.memory_space<vmem>>, vector<1x16xf32>,
    %get3A_411 = vector.shape_cast %get3A_410 : vector<1x16xf32> to vector<16xf32>
    %add3A_412 = arith.addf %get3A_406, %get3A_411 : vector<16xf32>
    %add3A_413 = arith.addf %add3A_412, %get3A_266 : vector<16xf32>
    %swap3A_414 = arith.constant 0 : i32
    %swap3A_415 = arith.index_cast %swap3A_414 : i32 to index
    %swap3A_416 = arith.constant 96 : index
    %swap3A_417 = tpu.vector_load %arg10[%swap3A_415, %swap3A_416] {strides = array<i32>} : memref<4x128xf32, #tpu.memory_space<vmem>>, vector<1x16xf32>,
    %swap3A_418 = vector.shape_cast %swap3A_417 : vector<1x16xf32> to vector<16xf32>
    %swap3A_419 = vector.shape_cast %add3A_413 : vector<16xf32> to vector<1x16xf32>
    tpu.vector_store %arg10[%swap3A_415, %swap3A_416], %swap3A_419 {strides = array<i32>} : memref<4x128xf32, #tpu.memory_space<vmem>>, vector<1x16xf32>,
    %get3A_420 = arith.constant 0 : i32
    %get3A_421 = arith.index_cast %get3A_420 : i32 to index
    %get3A_422 = arith.constant 112 : index
    %get3A_423 = tpu.vector_load %arg10[%get3A_421, %get3A_422] {strides = array<i32>} : memref<4x128xf32, #tpu.memory_space<vmem>>, vector<1x16xf32>,
    %get3A_424 = vector.shape_cast %get3A_423 : vector<1x16xf32> to vector<16xf32>
    %get3A_425 = arith.constant 0 : i32
    %get3A_426 = arith.index_cast %get3A_425 : i32 to index
    %get3A_427 = arith.constant 112 : index
    %get3A_428 = tpu.vector_load %arg11[%get3A_426, %get3A_427] {strides = array<i32>} : memref<4x128xf32, #tpu.memory_space<vmem>>, vector<1x16xf32>,
    %get3A_429 = vector.shape_cast %get3A_428 : vector<1x16xf32> to vector<16xf32>
    %add3A_430 = arith.addf %get3A_424, %get3A_429 : vector<16xf32>
    %add3A_431 = arith.addf %add3A_430, %get3A_266 : vector<16xf32>
    %swap3A_432 = arith.constant 0 : i32
    %swap3A_433 = arith.index_cast %swap3A_432 : i32 to index
    %swap3A_434 = arith.constant 112 : index
    %swap3A_435 = tpu.vector_load %arg10[%swap3A_433, %swap3A_434] {strides = array<i32>} : memref<4x128xf32, #tpu.memory_space<vmem>>, vector<1x16xf32>,
    %swap3A_436 = vector.shape_cast %swap3A_435 : vector<1x16xf32> to vector<16xf32>
    %swap3A_437 = vector.shape_cast %add3A_431 : vector<16xf32> to vector<1x16xf32>
    tpu.vector_store %arg10[%swap3A_433, %swap3A_434], %swap3A_437 {strides = array<i32>} : memref<4x128xf32, #tpu.memory_space<vmem>>, vector<1x16xf32>,
    %add3A_438 = arith.constant 0 : i32
    %add3A_439 = arith.addi %mul3A_2, %add3A_438 : i32
    %dma_start3A_440 = arith.constant 0 : i32
    %dma_start3A_441 = arith.constant 0 : i32
    %dma_start3A_442 = tpu.memref_slice %arg10[%dma_start3A_440, %dma_start3A_441] : memref<4x128xf32, #tpu.memory_space<vmem>> -> memref<1x128xf32, #tpu.memory_space<vmem>>
    %dma_start3A_443 = tpu.memref_squeeze %dma_start3A_442 : memref<1x128xf32, #tpu.memory_space<vmem>> -> memref<128xf32, #tpu.memory_space<vmem>>
    %dma_start3A_444 = tpu.memref_slice %arg7[%add3A_439] : memref<16384xf32, #tpu.memory_space<hbm>> -> memref<128xf32, #tpu.memory_space<hbm>>
    %dma_start3A_445 = tpu.memref_slice %arg7[%add3A_439] : memref<16384xf32, #tpu.memory_space<hbm>> -> memref<128xf32, #tpu.memory_space<hbm>>
    %dma_start3A_446 = arith.constant 0 : i32
    %dma_start3A_447 = tpu.memref_slice %arg10[%dma_start3A_440, %dma_start3A_446] : memref<4x128xf32, #tpu.memory_space<vmem>> -> memref<1x128xf32, #tpu.memory_space<vmem>>
    %dma_start3A_448 = tpu.memref_squeeze %dma_start3A_447 : memref<1x128xf32, #tpu.memory_space<vmem>> -> memref<128xf32, #tpu.memory_space<vmem>>
    tpu.enqueue_dma source(%dma_start3A_448 : memref<128xf32, #tpu.memory_space<vmem>>) target(%dma_start3A_445 : memref<128xf32, #tpu.memory_space<hbm>>) target_semaphore(%arg15 : memref<!tpu.dma_semaphore, #tpu.memory_space<semaphore_mem>>)
    %dma_wait3A_449 = arith.constant 0 : i32
    %dma_wait3A_450 = arith.constant 1 : i32
    %dma_wait3A_451 = arith.constant 1 : i32
    %dma_wait3A_452 = arith.constant 0 : i32
    %dma_wait3A_453 = tpu.memref_slice %arg10[%dma_wait3A_451, %dma_wait3A_452] : memref<4x128xf32, #tpu.memory_space<vmem>> -> memref<1x128xf32, #tpu.memory_space<vmem>>
    %dma_wait3A_454 = tpu.memref_squeeze %dma_wait3A_453 : memref<1x128xf32, #tpu.memory_space<vmem>> -> memref<128xf32, #tpu.memory_space<vmem>>
    %dma_wait3A_455 = arith.constant 0 : i32
    %dma_wait3A_456 = tpu.memref_slice %arg8[%dma_wait3A_450, %dma_wait3A_455] : memref<4x128xi32, #tpu.memory_space<vmem>> -> memref<1x128xi32, #tpu.memory_space<vmem>>
    %dma_wait3A_457 = tpu.memref_squeeze %dma_wait3A_456 : memref<1x128xi32, #tpu.memory_space<vmem>> -> memref<128xi32, #tpu.memory_space<vmem>>
    %dma_wait3A_458 = arith.constant 0 : i32
    %dma_wait3A_459 = tpu.memref_slice %arg4[%dma_wait3A_449, %dma_wait3A_458] : memref<1x1000000xf32, #tpu.memory_space<hbm>> -> memref<1x1000000xf32, #tpu.memory_space<hbm>>
    %dma_wait3A_460 = tpu.memref_squeeze %dma_wait3A_459 : memref<1x1000000xf32, #tpu.memory_space<hbm>> -> memref<1000000xf32, #tpu.memory_space<hbm>>
    %dma_wait3A_461 = arith.constant 0 : i32
    %dma_wait3A_462 = tpu.memref_slice %dma_wait3A_460[%dma_wait3A_461] : memref<1000000xf32, #tpu.memory_space<hbm>> -> memref<1000000xf32, #tpu.memory_space<hbm>>
    tpu.wait_indirect_dma semaphore(%arg13 : memref<!tpu.dma_semaphore, #tpu.memory_space<semaphore_mem>>) src(%dma_wait3A_462 : memref<1000000xf32, #tpu.memory_space<hbm>>) dst(%dma_wait3A_454 : memref<128xf32, #tpu.memory_space<vmem>>)
    %dma_wait3A_463 = arith.constant 0 : i32
    %dma_wait3A_464 = arith.constant 1 : i32
    %dma_wait3A_465 = arith.constant 1 : i32
    %dma_wait3A_466 = arith.constant 0 : i32
    %dma_wait3A_467 = tpu.memref_slice %arg11[%dma_wait3A_465, %dma_wait3A_466] : memref<4x128xf32, #tpu.memory_space<vmem>> -> memref<1x128xf32, #tpu.memory_space<vmem>>
    %dma_wait3A_468 = tpu.memref_squeeze %dma_wait3A_467 : memref<1x128xf32, #tpu.memory_space<vmem>> -> memref<128xf32, #tpu.memory_space<vmem>>
    %dma_wait3A_469 = arith.constant 0 : i32
    %dma_wait3A_470 = tpu.memref_slice %arg9[%dma_wait3A_464, %dma_wait3A_469] : memref<4x128xi32, #tpu.memory_space<vmem>> -> memref<1x128xi32, #tpu.memory_space<vmem>>
    %dma_wait3A_471 = tpu.memref_squeeze %dma_wait3A_470 : memref<1x128xi32, #tpu.memory_space<vmem>> -> memref<128xi32, #tpu.memory_space<vmem>>
    %dma_wait3A_472 = arith.constant 0 : i32
    %dma_wait3A_473 = tpu.memref_slice %arg5[%dma_wait3A_463, %dma_wait3A_472] : memref<1x100000xf32, #tpu.memory_space<hbm>> -> memref<1x100000xf32, #tpu.memory_space<hbm>>
    %dma_wait3A_474 = tpu.memref_squeeze %dma_wait3A_473 : memref<1x100000xf32, #tpu.memory_space<hbm>> -> memref<100000xf32, #tpu.memory_space<hbm>>
    %dma_wait3A_475 = arith.constant 0 : i32
    %dma_wait3A_476 = tpu.memref_slice %dma_wait3A_474[%dma_wait3A_475] : memref<100000xf32, #tpu.memory_space<hbm>> -> memref<100000xf32, #tpu.memory_space<hbm>>
    tpu.wait_indirect_dma semaphore(%arg13 : memref<!tpu.dma_semaphore, #tpu.memory_space<semaphore_mem>>) src(%dma_wait3A_476 : memref<100000xf32, #tpu.memory_space<hbm>>) dst(%dma_wait3A_468 : memref<128xf32, #tpu.memory_space<vmem>>)
    %get3A_477 = arith.constant 1 : i32
    %get3A_478 = arith.index_cast %get3A_477 : i32 to index
    %get3A_479 = arith.constant 0 : index
    %get3A_480 = tpu.vector_load %arg10[%get3A_478, %get3A_479] {strides = array<i32>} : memref<4x128xf32, #tpu.memory_space<vmem>>, vector<1x16xf32>,
    %get3A_481 = vector.shape_cast %get3A_480 : vector<1x16xf32> to vector<16xf32>
    %get3A_482 = arith.constant 1 : i32
    %get3A_483 = arith.index_cast %get3A_482 : i32 to index
    %get3A_484 = arith.constant 0 : index
    %get3A_485 = tpu.vector_load %arg11[%get3A_483, %get3A_484] {strides = array<i32>} : memref<4x128xf32, #tpu.memory_space<vmem>>, vector<1x16xf32>,
    %get3A_486 = vector.shape_cast %get3A_485 : vector<1x16xf32> to vector<16xf32>
    %add3A_487 = arith.addf %get3A_481, %get3A_486 : vector<16xf32>
    %add3A_488 = arith.addf %add3A_487, %get3A_266 : vector<16xf32>
    %swap3A_489 = arith.constant 1 : i32
    %swap3A_490 = arith.index_cast %swap3A_489 : i32 to index
    %swap3A_491 = arith.constant 0 : index
    %swap3A_492 = tpu.vector_load %arg10[%swap3A_490, %swap3A_491] {strides = array<i32>} : memref<4x128xf32, #tpu.memory_space<vmem>>, vector<1x16xf32>,
    %swap3A_493 = vector.shape_cast %swap3A_492 : vector<1x16xf32> to vector<16xf32>
    %swap3A_494 = vector.shape_cast %add3A_488 : vector<16xf32> to vector<1x16xf32>
    tpu.vector_store %arg10[%swap3A_490, %swap3A_491], %swap3A_494 {strides = array<i32>} : memref<4x128xf32, #tpu.memory_space<vmem>>, vector<1x16xf32>,
    %get3A_495 = arith.constant 1 : i32
    %get3A_496 = arith.index_cast %get3A_495 : i32 to index
    %get3A_497 = arith.constant 16 : index
    %get3A_498 = tpu.vector_load %arg10[%get3A_496, %get3A_497] {strides = array<i32>} : memref<4x128xf32, #tpu.memory_space<vmem>>, vector<1x16xf32>,
    %get3A_499 = vector.shape_cast %get3A_498 : vector<1x16xf32> to vector<16xf32>
    %get3A_500 = arith.constant 1 : i32
    %get3A_501 = arith.index_cast %get3A_500 : i32 to index
    %get3A_502 = arith.constant 16 : index
    %get3A_503 = tpu.vector_load %arg11[%get3A_501, %get3A_502] {strides = array<i32>} : memref<4x128xf32, #tpu.memory_space<vmem>>, vector<1x16xf32>,
    %get3A_504 = vector.shape_cast %get3A_503 : vector<1x16xf32> to vector<16xf32>
    %add3A_505 = arith.addf %get3A_499, %get3A_504 : vector<16xf32>
    %add3A_506 = arith.addf %add3A_505, %get3A_266 : vector<16xf32>
    %swap3A_507 = arith.constant 1 : i32
    %swap3A_508 = arith.index_cast %swap3A_507 : i32 to index
    %swap3A_509 = arith.constant 16 : index
    %swap3A_510 = tpu.vector_load %arg10[%swap3A_508, %swap3A_509] {strides = array<i32>} : memref<4x128xf32, #tpu.memory_space<vmem>>, vector<1x16xf32>,
    %swap3A_511 = vector.shape_cast %swap3A_510 : vector<1x16xf32> to vector<16xf32>
    %swap3A_512 = vector.shape_cast %add3A_506 : vector<16xf32> to vector<1x16xf32>
    tpu.vector_store %arg10[%swap3A_508, %swap3A_509], %swap3A_512 {strides = array<i32>} : memref<4x128xf32, #tpu.memory_space<vmem>>, vector<1x16xf32>,
    %get3A_513 = arith.constant 1 : i32
    %get3A_514 = arith.index_cast %get3A_513 : i32 to index
    %get3A_515 = arith.constant 32 : index
    %get3A_516 = tpu.vector_load %arg10[%get3A_514, %get3A_515] {strides = array<i32>} : memref<4x128xf32, #tpu.memory_space<vmem>>, vector<1x16xf32>,
    %get3A_517 = vector.shape_cast %get3A_516 : vector<1x16xf32> to vector<16xf32>
    %get3A_518 = arith.constant 1 : i32
    %get3A_519 = arith.index_cast %get3A_518 : i32 to index
    %get3A_520 = arith.constant 32 : index
    %get3A_521 = tpu.vector_load %arg11[%get3A_519, %get3A_520] {strides = array<i32>} : memref<4x128xf32, #tpu.memory_space<vmem>>, vector<1x16xf32>,
    %get3A_522 = vector.shape_cast %get3A_521 : vector<1x16xf32> to vector<16xf32>
    %add3A_523 = arith.addf %get3A_517, %get3A_522 : vector<16xf32>
    %add3A_524 = arith.addf %add3A_523, %get3A_266 : vector<16xf32>
    %swap3A_525 = arith.constant 1 : i32
    %swap3A_526 = arith.index_cast %swap3A_525 : i32 to index
    %swap3A_527 = arith.constant 32 : index
    %swap3A_528 = tpu.vector_load %arg10[%swap3A_526, %swap3A_527] {strides = array<i32>} : memref<4x128xf32, #tpu.memory_space<vmem>>, vector<1x16xf32>,
    %swap3A_529 = vector.shape_cast %swap3A_528 : vector<1x16xf32> to vector<16xf32>
    %swap3A_530 = vector.shape_cast %add3A_524 : vector<16xf32> to vector<1x16xf32>
    tpu.vector_store %arg10[%swap3A_526, %swap3A_527], %swap3A_530 {strides = array<i32>} : memref<4x128xf32, #tpu.memory_space<vmem>>, vector<1x16xf32>,
    %get3A_531 = arith.constant 1 : i32
    %get3A_532 = arith.index_cast %get3A_531 : i32 to index
    %get3A_533 = arith.constant 48 : index
    %get3A_534 = tpu.vector_load %arg10[%get3A_532, %get3A_533] {strides = array<i32>} : memref<4x128xf32, #tpu.memory_space<vmem>>, vector<1x16xf32>,
    %get3A_535 = vector.shape_cast %get3A_534 : vector<1x16xf32> to vector<16xf32>
    %get3A_536 = arith.constant 1 : i32
    %get3A_537 = arith.index_cast %get3A_536 : i32 to index
    %get3A_538 = arith.constant 48 : index
    %get3A_539 = tpu.vector_load %arg11[%get3A_537, %get3A_538] {strides = array<i32>} : memref<4x128xf32, #tpu.memory_space<vmem>>, vector<1x16xf32>,
    %get3A_540 = vector.shape_cast %get3A_539 : vector<1x16xf32> to vector<16xf32>
    %add3A_541 = arith.addf %get3A_535, %get3A_540 : vector<16xf32>
    %add3A_542 = arith.addf %add3A_541, %get3A_266 : vector<16xf32>
    %swap3A_543 = arith.constant 1 : i32
    %swap3A_544 = arith.index_cast %swap3A_543 : i32 to index
    %swap3A_545 = arith.constant 48 : index
    %swap3A_546 = tpu.vector_load %arg10[%swap3A_544, %swap3A_545] {strides = array<i32>} : memref<4x128xf32, #tpu.memory_space<vmem>>, vector<1x16xf32>,
    %swap3A_547 = vector.shape_cast %swap3A_546 : vector<1x16xf32> to vector<16xf32>
    %swap3A_548 = vector.shape_cast %add3A_542 : vector<16xf32> to vector<1x16xf32>
    tpu.vector_store %arg10[%swap3A_544, %swap3A_545], %swap3A_548 {strides = array<i32>} : memref<4x128xf32, #tpu.memory_space<vmem>>, vector<1x16xf32>,
    %get3A_549 = arith.constant 1 : i32
    %get3A_550 = arith.index_cast %get3A_549 : i32 to index
    %get3A_551 = arith.constant 64 : index
    %get3A_552 = tpu.vector_load %arg10[%get3A_550, %get3A_551] {strides = array<i32>} : memref<4x128xf32, #tpu.memory_space<vmem>>, vector<1x16xf32>,
    %get3A_553 = vector.shape_cast %get3A_552 : vector<1x16xf32> to vector<16xf32>
    %get3A_554 = arith.constant 1 : i32
    %get3A_555 = arith.index_cast %get3A_554 : i32 to index
    %get3A_556 = arith.constant 64 : index
    %get3A_557 = tpu.vector_load %arg11[%get3A_555, %get3A_556] {strides = array<i32>} : memref<4x128xf32, #tpu.memory_space<vmem>>, vector<1x16xf32>,
    %get3A_558 = vector.shape_cast %get3A_557 : vector<1x16xf32> to vector<16xf32>
    %add3A_559 = arith.addf %get3A_553, %get3A_558 : vector<16xf32>
    %add3A_560 = arith.addf %add3A_559, %get3A_266 : vector<16xf32>
    %swap3A_561 = arith.constant 1 : i32
    %swap3A_562 = arith.index_cast %swap3A_561 : i32 to index
    %swap3A_563 = arith.constant 64 : index
    %swap3A_564 = tpu.vector_load %arg10[%swap3A_562, %swap3A_563] {strides = array<i32>} : memref<4x128xf32, #tpu.memory_space<vmem>>, vector<1x16xf32>,
    %swap3A_565 = vector.shape_cast %swap3A_564 : vector<1x16xf32> to vector<16xf32>
    %swap3A_566 = vector.shape_cast %add3A_560 : vector<16xf32> to vector<1x16xf32>
    tpu.vector_store %arg10[%swap3A_562, %swap3A_563], %swap3A_566 {strides = array<i32>} : memref<4x128xf32, #tpu.memory_space<vmem>>, vector<1x16xf32>,
    %get3A_567 = arith.constant 1 : i32
    %get3A_568 = arith.index_cast %get3A_567 : i32 to index
    %get3A_569 = arith.constant 80 : index
    %get3A_570 = tpu.vector_load %arg10[%get3A_568, %get3A_569] {strides = array<i32>} : memref<4x128xf32, #tpu.memory_space<vmem>>, vector<1x16xf32>,
    %get3A_571 = vector.shape_cast %get3A_570 : vector<1x16xf32> to vector<16xf32>
    %get3A_572 = arith.constant 1 : i32
    %get3A_573 = arith.index_cast %get3A_572 : i32 to index
    %get3A_574 = arith.constant 80 : index
    %get3A_575 = tpu.vector_load %arg11[%get3A_573, %get3A_574] {strides = array<i32>} : memref<4x128xf32, #tpu.memory_space<vmem>>, vector<1x16xf32>,
    %get3A_576 = vector.shape_cast %get3A_575 : vector<1x16xf32> to vector<16xf32>
    %add3A_577 = arith.addf %get3A_571, %get3A_576 : vector<16xf32>
    %add3A_578 = arith.addf %add3A_577, %get3A_266 : vector<16xf32>
    %swap3A_579 = arith.constant 1 : i32
    %swap3A_580 = arith.index_cast %swap3A_579 : i32 to index
    %swap3A_581 = arith.constant 80 : index
    %swap3A_582 = tpu.vector_load %arg10[%swap3A_580, %swap3A_581] {strides = array<i32>} : memref<4x128xf32, #tpu.memory_space<vmem>>, vector<1x16xf32>,
    %swap3A_583 = vector.shape_cast %swap3A_582 : vector<1x16xf32> to vector<16xf32>
    %swap3A_584 = vector.shape_cast %add3A_578 : vector<16xf32> to vector<1x16xf32>
    tpu.vector_store %arg10[%swap3A_580, %swap3A_581], %swap3A_584 {strides = array<i32>} : memref<4x128xf32, #tpu.memory_space<vmem>>, vector<1x16xf32>,
    %get3A_585 = arith.constant 1 : i32
    %get3A_586 = arith.index_cast %get3A_585 : i32 to index
    %get3A_587 = arith.constant 96 : index
    %get3A_588 = tpu.vector_load %arg10[%get3A_586, %get3A_587] {strides = array<i32>} : memref<4x128xf32, #tpu.memory_space<vmem>>, vector<1x16xf32>,
    %get3A_589 = vector.shape_cast %get3A_588 : vector<1x16xf32> to vector<16xf32>
    %get3A_590 = arith.constant 1 : i32
    %get3A_591 = arith.index_cast %get3A_590 : i32 to index
    %get3A_592 = arith.constant 96 : index
    %get3A_593 = tpu.vector_load %arg11[%get3A_591, %get3A_592] {strides = array<i32>} : memref<4x128xf32, #tpu.memory_space<vmem>>, vector<1x16xf32>,
    %get3A_594 = vector.shape_cast %get3A_593 : vector<1x16xf32> to vector<16xf32>
    %add3A_595 = arith.addf %get3A_589, %get3A_594 : vector<16xf32>
    %add3A_596 = arith.addf %add3A_595, %get3A_266 : vector<16xf32>
    %swap3A_597 = arith.constant 1 : i32
    %swap3A_598 = arith.index_cast %swap3A_597 : i32 to index
    %swap3A_599 = arith.constant 96 : index
    %swap3A_600 = tpu.vector_load %arg10[%swap3A_598, %swap3A_599] {strides = array<i32>} : memref<4x128xf32, #tpu.memory_space<vmem>>, vector<1x16xf32>,
    %swap3A_601 = vector.shape_cast %swap3A_600 : vector<1x16xf32> to vector<16xf32>
    %swap3A_602 = vector.shape_cast %add3A_596 : vector<16xf32> to vector<1x16xf32>
    tpu.vector_store %arg10[%swap3A_598, %swap3A_599], %swap3A_602 {strides = array<i32>} : memref<4x128xf32, #tpu.memory_space<vmem>>, vector<1x16xf32>,
    %get3A_603 = arith.constant 1 : i32
    %get3A_604 = arith.index_cast %get3A_603 : i32 to index
    %get3A_605 = arith.constant 112 : index
    %get3A_606 = tpu.vector_load %arg10[%get3A_604, %get3A_605] {strides = array<i32>} : memref<4x128xf32, #tpu.memory_space<vmem>>, vector<1x16xf32>,
    %get3A_607 = vector.shape_cast %get3A_606 : vector<1x16xf32> to vector<16xf32>
    %get3A_608 = arith.constant 1 : i32
    %get3A_609 = arith.index_cast %get3A_608 : i32 to index
    %get3A_610 = arith.constant 112 : index
    %get3A_611 = tpu.vector_load %arg11[%get3A_609, %get3A_610] {strides = array<i32>} : memref<4x128xf32, #tpu.memory_space<vmem>>, vector<1x16xf32>,
    %get3A_612 = vector.shape_cast %get3A_611 : vector<1x16xf32> to vector<16xf32>
    %add3A_613 = arith.addf %get3A_607, %get3A_612 : vector<16xf32>
    %add3A_614 = arith.addf %add3A_613, %get3A_266 : vector<16xf32>
    %swap3A_615 = arith.constant 1 : i32
    %swap3A_616 = arith.index_cast %swap3A_615 : i32 to index
    %swap3A_617 = arith.constant 112 : index
    %swap3A_618 = tpu.vector_load %arg10[%swap3A_616, %swap3A_617] {strides = array<i32>} : memref<4x128xf32, #tpu.memory_space<vmem>>, vector<1x16xf32>,
    %swap3A_619 = vector.shape_cast %swap3A_618 : vector<1x16xf32> to vector<16xf32>
    %swap3A_620 = vector.shape_cast %add3A_614 : vector<16xf32> to vector<1x16xf32>
    tpu.vector_store %arg10[%swap3A_616, %swap3A_617], %swap3A_620 {strides = array<i32>} : memref<4x128xf32, #tpu.memory_space<vmem>>, vector<1x16xf32>,
    %add3A_621 = arith.constant 128 : i32
    %add3A_622 = arith.addi %mul3A_2, %add3A_621 : i32
    %dma_start3A_623 = arith.constant 1 : i32
    %dma_start3A_624 = arith.constant 0 : i32
    %dma_start3A_625 = tpu.memref_slice %arg10[%dma_start3A_623, %dma_start3A_624] : memref<4x128xf32, #tpu.memory_space<vmem>> -> memref<1x128xf32, #tpu.memory_space<vmem>>
    %dma_start3A_626 = tpu.memref_squeeze %dma_start3A_625 : memref<1x128xf32, #tpu.memory_space<vmem>> -> memref<128xf32, #tpu.memory_space<vmem>>
    %dma_start3A_627 = tpu.memref_slice %arg7[%add3A_622] : memref<16384xf32, #tpu.memory_space<hbm>> -> memref<128xf32, #tpu.memory_space<hbm>>
    %dma_start3A_628 = tpu.memref_slice %arg7[%add3A_622] : memref<16384xf32, #tpu.memory_space<hbm>> -> memref<128xf32, #tpu.memory_space<hbm>>
    %dma_start3A_629 = arith.constant 0 : i32
    %dma_start3A_630 = tpu.memref_slice %arg10[%dma_start3A_623, %dma_start3A_629] : memref<4x128xf32, #tpu.memory_space<vmem>> -> memref<1x128xf32, #tpu.memory_space<vmem>>
    %dma_start3A_631 = tpu.memref_squeeze %dma_start3A_630 : memref<1x128xf32, #tpu.memory_space<vmem>> -> memref<128xf32, #tpu.memory_space<vmem>>
    tpu.enqueue_dma source(%dma_start3A_631 : memref<128xf32, #tpu.memory_space<vmem>>) target(%dma_start3A_628 : memref<128xf32, #tpu.memory_space<hbm>>) target_semaphore(%arg15 : memref<!tpu.dma_semaphore, #tpu.memory_space<semaphore_mem>>)
    %dma_wait3A_632 = arith.constant 0 : i32
    %dma_wait3A_633 = arith.constant 2 : i32
    %dma_wait3A_634 = arith.constant 2 : i32
    %dma_wait3A_635 = arith.constant 0 : i32
    %dma_wait3A_636 = tpu.memref_slice %arg10[%dma_wait3A_634, %dma_wait3A_635] : memref<4x128xf32, #tpu.memory_space<vmem>> -> memref<1x128xf32, #tpu.memory_space<vmem>>
    %dma_wait3A_637 = tpu.memref_squeeze %dma_wait3A_636 : memref<1x128xf32, #tpu.memory_space<vmem>> -> memref<128xf32, #tpu.memory_space<vmem>>
    %dma_wait3A_638 = arith.constant 0 : i32
    %dma_wait3A_639 = tpu.memref_slice %arg8[%dma_wait3A_633, %dma_wait3A_638] : memref<4x128xi32, #tpu.memory_space<vmem>> -> memref<1x128xi32, #tpu.memory_space<vmem>>
    %dma_wait3A_640 = tpu.memref_squeeze %dma_wait3A_639 : memref<1x128xi32, #tpu.memory_space<vmem>> -> memref<128xi32, #tpu.memory_space<vmem>>
    %dma_wait3A_641 = arith.constant 0 : i32
    %dma_wait3A_642 = tpu.memref_slice %arg4[%dma_wait3A_632, %dma_wait3A_641] : memref<1x1000000xf32, #tpu.memory_space<hbm>> -> memref<1x1000000xf32, #tpu.memory_space<hbm>>
    %dma_wait3A_643 = tpu.memref_squeeze %dma_wait3A_642 : memref<1x1000000xf32, #tpu.memory_space<hbm>> -> memref<1000000xf32, #tpu.memory_space<hbm>>
    %dma_wait3A_644 = arith.constant 0 : i32
    %dma_wait3A_645 = tpu.memref_slice %dma_wait3A_643[%dma_wait3A_644] : memref<1000000xf32, #tpu.memory_space<hbm>> -> memref<1000000xf32, #tpu.memory_space<hbm>>
    tpu.wait_indirect_dma semaphore(%arg13 : memref<!tpu.dma_semaphore, #tpu.memory_space<semaphore_mem>>) src(%dma_wait3A_645 : memref<1000000xf32, #tpu.memory_space<hbm>>) dst(%dma_wait3A_637 : memref<128xf32, #tpu.memory_space<vmem>>)
    %dma_wait3A_646 = arith.constant 0 : i32
    %dma_wait3A_647 = arith.constant 2 : i32
    %dma_wait3A_648 = arith.constant 2 : i32
    %dma_wait3A_649 = arith.constant 0 : i32
    %dma_wait3A_650 = tpu.memref_slice %arg11[%dma_wait3A_648, %dma_wait3A_649] : memref<4x128xf32, #tpu.memory_space<vmem>> -> memref<1x128xf32, #tpu.memory_space<vmem>>
    %dma_wait3A_651 = tpu.memref_squeeze %dma_wait3A_650 : memref<1x128xf32, #tpu.memory_space<vmem>> -> memref<128xf32, #tpu.memory_space<vmem>>
    %dma_wait3A_652 = arith.constant 0 : i32
    %dma_wait3A_653 = tpu.memref_slice %arg9[%dma_wait3A_647, %dma_wait3A_652] : memref<4x128xi32, #tpu.memory_space<vmem>> -> memref<1x128xi32, #tpu.memory_space<vmem>>
    %dma_wait3A_654 = tpu.memref_squeeze %dma_wait3A_653 : memref<1x128xi32, #tpu.memory_space<vmem>> -> memref<128xi32, #tpu.memory_space<vmem>>
    %dma_wait3A_655 = arith.constant 0 : i32
    %dma_wait3A_656 = tpu.memref_slice %arg5[%dma_wait3A_646, %dma_wait3A_655] : memref<1x100000xf32, #tpu.memory_space<hbm>> -> memref<1x100000xf32, #tpu.memory_space<hbm>>
    %dma_wait3A_657 = tpu.memref_squeeze %dma_wait3A_656 : memref<1x100000xf32, #tpu.memory_space<hbm>> -> memref<100000xf32, #tpu.memory_space<hbm>>
    %dma_wait3A_658 = arith.constant 0 : i32
    %dma_wait3A_659 = tpu.memref_slice %dma_wait3A_657[%dma_wait3A_658] : memref<100000xf32, #tpu.memory_space<hbm>> -> memref<100000xf32, #tpu.memory_space<hbm>>
    tpu.wait_indirect_dma semaphore(%arg13 : memref<!tpu.dma_semaphore, #tpu.memory_space<semaphore_mem>>) src(%dma_wait3A_659 : memref<100000xf32, #tpu.memory_space<hbm>>) dst(%dma_wait3A_651 : memref<128xf32, #tpu.memory_space<vmem>>)
    %get3A_660 = arith.constant 2 : i32
    %get3A_661 = arith.index_cast %get3A_660 : i32 to index
    %get3A_662 = arith.constant 0 : index
    %get3A_663 = tpu.vector_load %arg10[%get3A_661, %get3A_662] {strides = array<i32>} : memref<4x128xf32, #tpu.memory_space<vmem>>, vector<1x16xf32>,
    %get3A_664 = vector.shape_cast %get3A_663 : vector<1x16xf32> to vector<16xf32>
    %get3A_665 = arith.constant 2 : i32
    %get3A_666 = arith.index_cast %get3A_665 : i32 to index
    %get3A_667 = arith.constant 0 : index
    %get3A_668 = tpu.vector_load %arg11[%get3A_666, %get3A_667] {strides = array<i32>} : memref<4x128xf32, #tpu.memory_space<vmem>>, vector<1x16xf32>,
    %get3A_669 = vector.shape_cast %get3A_668 : vector<1x16xf32> to vector<16xf32>
    %add3A_670 = arith.addf %get3A_664, %get3A_669 : vector<16xf32>
    %add3A_671 = arith.addf %add3A_670, %get3A_266 : vector<16xf32>
    %swap3A_672 = arith.constant 2 : i32
    %swap3A_673 = arith.index_cast %swap3A_672 : i32 to index
    %swap3A_674 = arith.constant 0 : index
    %swap3A_675 = tpu.vector_load %arg10[%swap3A_673, %swap3A_674] {strides = array<i32>} : memref<4x128xf32, #tpu.memory_space<vmem>>, vector<1x16xf32>,
    %swap3A_676 = vector.shape_cast %swap3A_675 : vector<1x16xf32> to vector<16xf32>
    %swap3A_677 = vector.shape_cast %add3A_671 : vector<16xf32> to vector<1x16xf32>
    tpu.vector_store %arg10[%swap3A_673, %swap3A_674], %swap3A_677 {strides = array<i32>} : memref<4x128xf32, #tpu.memory_space<vmem>>, vector<1x16xf32>,
    %get3A_678 = arith.constant 2 : i32
    %get3A_679 = arith.index_cast %get3A_678 : i32 to index
    %get3A_680 = arith.constant 16 : index
    %get3A_681 = tpu.vector_load %arg10[%get3A_679, %get3A_680] {strides = array<i32>} : memref<4x128xf32, #tpu.memory_space<vmem>>, vector<1x16xf32>,
    %get3A_682 = vector.shape_cast %get3A_681 : vector<1x16xf32> to vector<16xf32>
    %get3A_683 = arith.constant 2 : i32
    %get3A_684 = arith.index_cast %get3A_683 : i32 to index
    %get3A_685 = arith.constant 16 : index
    %get3A_686 = tpu.vector_load %arg11[%get3A_684, %get3A_685] {strides = array<i32>} : memref<4x128xf32, #tpu.memory_space<vmem>>, vector<1x16xf32>,
    %get3A_687 = vector.shape_cast %get3A_686 : vector<1x16xf32> to vector<16xf32>
    %add3A_688 = arith.addf %get3A_682, %get3A_687 : vector<16xf32>
    %add3A_689 = arith.addf %add3A_688, %get3A_266 : vector<16xf32>
    %swap3A_690 = arith.constant 2 : i32
    %swap3A_691 = arith.index_cast %swap3A_690 : i32 to index
    %swap3A_692 = arith.constant 16 : index
    %swap3A_693 = tpu.vector_load %arg10[%swap3A_691, %swap3A_692] {strides = array<i32>} : memref<4x128xf32, #tpu.memory_space<vmem>>, vector<1x16xf32>,
    %swap3A_694 = vector.shape_cast %swap3A_693 : vector<1x16xf32> to vector<16xf32>
    %swap3A_695 = vector.shape_cast %add3A_689 : vector<16xf32> to vector<1x16xf32>
    tpu.vector_store %arg10[%swap3A_691, %swap3A_692], %swap3A_695 {strides = array<i32>} : memref<4x128xf32, #tpu.memory_space<vmem>>, vector<1x16xf32>,
    %get3A_696 = arith.constant 2 : i32
    %get3A_697 = arith.index_cast %get3A_696 : i32 to index
    %get3A_698 = arith.constant 32 : index
    %get3A_699 = tpu.vector_load %arg10[%get3A_697, %get3A_698] {strides = array<i32>} : memref<4x128xf32, #tpu.memory_space<vmem>>, vector<1x16xf32>,
    %get3A_700 = vector.shape_cast %get3A_699 : vector<1x16xf32> to vector<16xf32>
    %get3A_701 = arith.constant 2 : i32
    %get3A_702 = arith.index_cast %get3A_701 : i32 to index
    %get3A_703 = arith.constant 32 : index
    %get3A_704 = tpu.vector_load %arg11[%get3A_702, %get3A_703] {strides = array<i32>} : memref<4x128xf32, #tpu.memory_space<vmem>>, vector<1x16xf32>,
    %get3A_705 = vector.shape_cast %get3A_704 : vector<1x16xf32> to vector<16xf32>
    %add3A_706 = arith.addf %get3A_700, %get3A_705 : vector<16xf32>
    %add3A_707 = arith.addf %add3A_706, %get3A_266 : vector<16xf32>
    %swap3A_708 = arith.constant 2 : i32
    %swap3A_709 = arith.index_cast %swap3A_708 : i32 to index
    %swap3A_710 = arith.constant 32 : index
    %swap3A_711 = tpu.vector_load %arg10[%swap3A_709, %swap3A_710] {strides = array<i32>} : memref<4x128xf32, #tpu.memory_space<vmem>>, vector<1x16xf32>,
    %swap3A_712 = vector.shape_cast %swap3A_711 : vector<1x16xf32> to vector<16xf32>
    %swap3A_713 = vector.shape_cast %add3A_707 : vector<16xf32> to vector<1x16xf32>
    tpu.vector_store %arg10[%swap3A_709, %swap3A_710], %swap3A_713 {strides = array<i32>} : memref<4x128xf32, #tpu.memory_space<vmem>>, vector<1x16xf32>,
    %get3A_714 = arith.constant 2 : i32
    %get3A_715 = arith.index_cast %get3A_714 : i32 to index
    %get3A_716 = arith.constant 48 : index
    %get3A_717 = tpu.vector_load %arg10[%get3A_715, %get3A_716] {strides = array<i32>} : memref<4x128xf32, #tpu.memory_space<vmem>>, vector<1x16xf32>,
    %get3A_718 = vector.shape_cast %get3A_717 : vector<1x16xf32> to vector<16xf32>
    %get3A_719 = arith.constant 2 : i32
    %get3A_720 = arith.index_cast %get3A_719 : i32 to index
    %get3A_721 = arith.constant 48 : index
    %get3A_722 = tpu.vector_load %arg11[%get3A_720, %get3A_721] {strides = array<i32>} : memref<4x128xf32, #tpu.memory_space<vmem>>, vector<1x16xf32>,
    %get3A_723 = vector.shape_cast %get3A_722 : vector<1x16xf32> to vector<16xf32>
    %add3A_724 = arith.addf %get3A_718, %get3A_723 : vector<16xf32>
    %add3A_725 = arith.addf %add3A_724, %get3A_266 : vector<16xf32>
    %swap3A_726 = arith.constant 2 : i32
    %swap3A_727 = arith.index_cast %swap3A_726 : i32 to index
    %swap3A_728 = arith.constant 48 : index
    %swap3A_729 = tpu.vector_load %arg10[%swap3A_727, %swap3A_728] {strides = array<i32>} : memref<4x128xf32, #tpu.memory_space<vmem>>, vector<1x16xf32>,
    %swap3A_730 = vector.shape_cast %swap3A_729 : vector<1x16xf32> to vector<16xf32>
    %swap3A_731 = vector.shape_cast %add3A_725 : vector<16xf32> to vector<1x16xf32>
    tpu.vector_store %arg10[%swap3A_727, %swap3A_728], %swap3A_731 {strides = array<i32>} : memref<4x128xf32, #tpu.memory_space<vmem>>, vector<1x16xf32>,
    %get3A_732 = arith.constant 2 : i32
    %get3A_733 = arith.index_cast %get3A_732 : i32 to index
    %get3A_734 = arith.constant 64 : index
    %get3A_735 = tpu.vector_load %arg10[%get3A_733, %get3A_734] {strides = array<i32>} : memref<4x128xf32, #tpu.memory_space<vmem>>, vector<1x16xf32>,
    %get3A_736 = vector.shape_cast %get3A_735 : vector<1x16xf32> to vector<16xf32>
    %get3A_737 = arith.constant 2 : i32
    %get3A_738 = arith.index_cast %get3A_737 : i32 to index
    %get3A_739 = arith.constant 64 : index
    %get3A_740 = tpu.vector_load %arg11[%get3A_738, %get3A_739] {strides = array<i32>} : memref<4x128xf32, #tpu.memory_space<vmem>>, vector<1x16xf32>,
    %get3A_741 = vector.shape_cast %get3A_740 : vector<1x16xf32> to vector<16xf32>
    %add3A_742 = arith.addf %get3A_736, %get3A_741 : vector<16xf32>
    %add3A_743 = arith.addf %add3A_742, %get3A_266 : vector<16xf32>
    %swap3A_744 = arith.constant 2 : i32
    %swap3A_745 = arith.index_cast %swap3A_744 : i32 to index
    %swap3A_746 = arith.constant 64 : index
    %swap3A_747 = tpu.vector_load %arg10[%swap3A_745, %swap3A_746] {strides = array<i32>} : memref<4x128xf32, #tpu.memory_space<vmem>>, vector<1x16xf32>,
    %swap3A_748 = vector.shape_cast %swap3A_747 : vector<1x16xf32> to vector<16xf32>
    %swap3A_749 = vector.shape_cast %add3A_743 : vector<16xf32> to vector<1x16xf32>
    tpu.vector_store %arg10[%swap3A_745, %swap3A_746], %swap3A_749 {strides = array<i32>} : memref<4x128xf32, #tpu.memory_space<vmem>>, vector<1x16xf32>,
    %get3A_750 = arith.constant 2 : i32
    %get3A_751 = arith.index_cast %get3A_750 : i32 to index
    %get3A_752 = arith.constant 80 : index
    %get3A_753 = tpu.vector_load %arg10[%get3A_751, %get3A_752] {strides = array<i32>} : memref<4x128xf32, #tpu.memory_space<vmem>>, vector<1x16xf32>,
    %get3A_754 = vector.shape_cast %get3A_753 : vector<1x16xf32> to vector<16xf32>
    %get3A_755 = arith.constant 2 : i32
    %get3A_756 = arith.index_cast %get3A_755 : i32 to index
    %get3A_757 = arith.constant 80 : index
    %get3A_758 = tpu.vector_load %arg11[%get3A_756, %get3A_757] {strides = array<i32>} : memref<4x128xf32, #tpu.memory_space<vmem>>, vector<1x16xf32>,
    %get3A_759 = vector.shape_cast %get3A_758 : vector<1x16xf32> to vector<16xf32>
    %add3A_760 = arith.addf %get3A_754, %get3A_759 : vector<16xf32>
    %add3A_761 = arith.addf %add3A_760, %get3A_266 : vector<16xf32>
    %swap3A_762 = arith.constant 2 : i32
    %swap3A_763 = arith.index_cast %swap3A_762 : i32 to index
    %swap3A_764 = arith.constant 80 : index
    %swap3A_765 = tpu.vector_load %arg10[%swap3A_763, %swap3A_764] {strides = array<i32>} : memref<4x128xf32, #tpu.memory_space<vmem>>, vector<1x16xf32>,
    %swap3A_766 = vector.shape_cast %swap3A_765 : vector<1x16xf32> to vector<16xf32>
    %swap3A_767 = vector.shape_cast %add3A_761 : vector<16xf32> to vector<1x16xf32>
    tpu.vector_store %arg10[%swap3A_763, %swap3A_764], %swap3A_767 {strides = array<i32>} : memref<4x128xf32, #tpu.memory_space<vmem>>, vector<1x16xf32>,
    %get3A_768 = arith.constant 2 : i32
    %get3A_769 = arith.index_cast %get3A_768 : i32 to index
    %get3A_770 = arith.constant 96 : index
    %get3A_771 = tpu.vector_load %arg10[%get3A_769, %get3A_770] {strides = array<i32>} : memref<4x128xf32, #tpu.memory_space<vmem>>, vector<1x16xf32>,
    %get3A_772 = vector.shape_cast %get3A_771 : vector<1x16xf32> to vector<16xf32>
    %get3A_773 = arith.constant 2 : i32
    %get3A_774 = arith.index_cast %get3A_773 : i32 to index
    %get3A_775 = arith.constant 96 : index
    %get3A_776 = tpu.vector_load %arg11[%get3A_774, %get3A_775] {strides = array<i32>} : memref<4x128xf32, #tpu.memory_space<vmem>>, vector<1x16xf32>,
    %get3A_777 = vector.shape_cast %get3A_776 : vector<1x16xf32> to vector<16xf32>
    %add3A_778 = arith.addf %get3A_772, %get3A_777 : vector<16xf32>
    %add3A_779 = arith.addf %add3A_778, %get3A_266 : vector<16xf32>
    %swap3A_780 = arith.constant 2 : i32
    %swap3A_781 = arith.index_cast %swap3A_780 : i32 to index
    %swap3A_782 = arith.constant 96 : index
    %swap3A_783 = tpu.vector_load %arg10[%swap3A_781, %swap3A_782] {strides = array<i32>} : memref<4x128xf32, #tpu.memory_space<vmem>>, vector<1x16xf32>,
    %swap3A_784 = vector.shape_cast %swap3A_783 : vector<1x16xf32> to vector<16xf32>
    %swap3A_785 = vector.shape_cast %add3A_779 : vector<16xf32> to vector<1x16xf32>
    tpu.vector_store %arg10[%swap3A_781, %swap3A_782], %swap3A_785 {strides = array<i32>} : memref<4x128xf32, #tpu.memory_space<vmem>>, vector<1x16xf32>,
    %get3A_786 = arith.constant 2 : i32
    %get3A_787 = arith.index_cast %get3A_786 : i32 to index
    %get3A_788 = arith.constant 112 : index
    %get3A_789 = tpu.vector_load %arg10[%get3A_787, %get3A_788] {strides = array<i32>} : memref<4x128xf32, #tpu.memory_space<vmem>>, vector<1x16xf32>,
    %get3A_790 = vector.shape_cast %get3A_789 : vector<1x16xf32> to vector<16xf32>
    %get3A_791 = arith.constant 2 : i32
    %get3A_792 = arith.index_cast %get3A_791 : i32 to index
    %get3A_793 = arith.constant 112 : index
    %get3A_794 = tpu.vector_load %arg11[%get3A_792, %get3A_793] {strides = array<i32>} : memref<4x128xf32, #tpu.memory_space<vmem>>, vector<1x16xf32>,
    %get3A_795 = vector.shape_cast %get3A_794 : vector<1x16xf32> to vector<16xf32>
    %add3A_796 = arith.addf %get3A_790, %get3A_795 : vector<16xf32>
    %add3A_797 = arith.addf %add3A_796, %get3A_266 : vector<16xf32>
    %swap3A_798 = arith.constant 2 : i32
    %swap3A_799 = arith.index_cast %swap3A_798 : i32 to index
    %swap3A_800 = arith.constant 112 : index
    %swap3A_801 = tpu.vector_load %arg10[%swap3A_799, %swap3A_800] {strides = array<i32>} : memref<4x128xf32, #tpu.memory_space<vmem>>, vector<1x16xf32>,
    %swap3A_802 = vector.shape_cast %swap3A_801 : vector<1x16xf32> to vector<16xf32>
    %swap3A_803 = vector.shape_cast %add3A_797 : vector<16xf32> to vector<1x16xf32>
    tpu.vector_store %arg10[%swap3A_799, %swap3A_800], %swap3A_803 {strides = array<i32>} : memref<4x128xf32, #tpu.memory_space<vmem>>, vector<1x16xf32>,
    %add3A_804 = arith.constant 256 : i32
    %add3A_805 = arith.addi %mul3A_2, %add3A_804 : i32
    %dma_start3A_806 = arith.constant 2 : i32
    %dma_start3A_807 = arith.constant 0 : i32
    %dma_start3A_808 = tpu.memref_slice %arg10[%dma_start3A_806, %dma_start3A_807] : memref<4x128xf32, #tpu.memory_space<vmem>> -> memref<1x128xf32, #tpu.memory_space<vmem>>
    %dma_start3A_809 = tpu.memref_squeeze %dma_start3A_808 : memref<1x128xf32, #tpu.memory_space<vmem>> -> memref<128xf32, #tpu.memory_space<vmem>>
    %dma_start3A_810 = tpu.memref_slice %arg7[%add3A_805] : memref<16384xf32, #tpu.memory_space<hbm>> -> memref<128xf32, #tpu.memory_space<hbm>>
    %dma_start3A_811 = tpu.memref_slice %arg7[%add3A_805] : memref<16384xf32, #tpu.memory_space<hbm>> -> memref<128xf32, #tpu.memory_space<hbm>>
    %dma_start3A_812 = arith.constant 0 : i32
    %dma_start3A_813 = tpu.memref_slice %arg10[%dma_start3A_806, %dma_start3A_812] : memref<4x128xf32, #tpu.memory_space<vmem>> -> memref<1x128xf32, #tpu.memory_space<vmem>>
    %dma_start3A_814 = tpu.memref_squeeze %dma_start3A_813 : memref<1x128xf32, #tpu.memory_space<vmem>> -> memref<128xf32, #tpu.memory_space<vmem>>
    tpu.enqueue_dma source(%dma_start3A_814 : memref<128xf32, #tpu.memory_space<vmem>>) target(%dma_start3A_811 : memref<128xf32, #tpu.memory_space<hbm>>) target_semaphore(%arg15 : memref<!tpu.dma_semaphore, #tpu.memory_space<semaphore_mem>>)
    %dma_wait3A_815 = arith.constant 0 : i32
    %dma_wait3A_816 = arith.constant 3 : i32
    %dma_wait3A_817 = arith.constant 3 : i32
    %dma_wait3A_818 = arith.constant 0 : i32
    %dma_wait3A_819 = tpu.memref_slice %arg10[%dma_wait3A_817, %dma_wait3A_818] : memref<4x128xf32, #tpu.memory_space<vmem>> -> memref<1x128xf32, #tpu.memory_space<vmem>>
    %dma_wait3A_820 = tpu.memref_squeeze %dma_wait3A_819 : memref<1x128xf32, #tpu.memory_space<vmem>> -> memref<128xf32, #tpu.memory_space<vmem>>
    %dma_wait3A_821 = arith.constant 0 : i32
    %dma_wait3A_822 = tpu.memref_slice %arg8[%dma_wait3A_816, %dma_wait3A_821] : memref<4x128xi32, #tpu.memory_space<vmem>> -> memref<1x128xi32, #tpu.memory_space<vmem>>
    %dma_wait3A_823 = tpu.memref_squeeze %dma_wait3A_822 : memref<1x128xi32, #tpu.memory_space<vmem>> -> memref<128xi32, #tpu.memory_space<vmem>>
    %dma_wait3A_824 = arith.constant 0 : i32
    %dma_wait3A_825 = tpu.memref_slice %arg4[%dma_wait3A_815, %dma_wait3A_824] : memref<1x1000000xf32, #tpu.memory_space<hbm>> -> memref<1x1000000xf32, #tpu.memory_space<hbm>>
    %dma_wait3A_826 = tpu.memref_squeeze %dma_wait3A_825 : memref<1x1000000xf32, #tpu.memory_space<hbm>> -> memref<1000000xf32, #tpu.memory_space<hbm>>
    %dma_wait3A_827 = arith.constant 0 : i32
    %dma_wait3A_828 = tpu.memref_slice %dma_wait3A_826[%dma_wait3A_827] : memref<1000000xf32, #tpu.memory_space<hbm>> -> memref<1000000xf32, #tpu.memory_space<hbm>>
    tpu.wait_indirect_dma semaphore(%arg13 : memref<!tpu.dma_semaphore, #tpu.memory_space<semaphore_mem>>) src(%dma_wait3A_828 : memref<1000000xf32, #tpu.memory_space<hbm>>) dst(%dma_wait3A_820 : memref<128xf32, #tpu.memory_space<vmem>>)
    %dma_wait3A_829 = arith.constant 0 : i32
    %dma_wait3A_830 = arith.constant 3 : i32
    %dma_wait3A_831 = arith.constant 3 : i32
    %dma_wait3A_832 = arith.constant 0 : i32
    %dma_wait3A_833 = tpu.memref_slice %arg11[%dma_wait3A_831, %dma_wait3A_832] : memref<4x128xf32, #tpu.memory_space<vmem>> -> memref<1x128xf32, #tpu.memory_space<vmem>>
    %dma_wait3A_834 = tpu.memref_squeeze %dma_wait3A_833 : memref<1x128xf32, #tpu.memory_space<vmem>> -> memref<128xf32, #tpu.memory_space<vmem>>
    %dma_wait3A_835 = arith.constant 0 : i32
    %dma_wait3A_836 = tpu.memref_slice %arg9[%dma_wait3A_830, %dma_wait3A_835] : memref<4x128xi32, #tpu.memory_space<vmem>> -> memref<1x128xi32, #tpu.memory_space<vmem>>
    %dma_wait3A_837 = tpu.memref_squeeze %dma_wait3A_836 : memref<1x128xi32, #tpu.memory_space<vmem>> -> memref<128xi32, #tpu.memory_space<vmem>>
    %dma_wait3A_838 = arith.constant 0 : i32
    %dma_wait3A_839 = tpu.memref_slice %arg5[%dma_wait3A_829, %dma_wait3A_838] : memref<1x100000xf32, #tpu.memory_space<hbm>> -> memref<1x100000xf32, #tpu.memory_space<hbm>>
    %dma_wait3A_840 = tpu.memref_squeeze %dma_wait3A_839 : memref<1x100000xf32, #tpu.memory_space<hbm>> -> memref<100000xf32, #tpu.memory_space<hbm>>
    %dma_wait3A_841 = arith.constant 0 : i32
    %dma_wait3A_842 = tpu.memref_slice %dma_wait3A_840[%dma_wait3A_841] : memref<100000xf32, #tpu.memory_space<hbm>> -> memref<100000xf32, #tpu.memory_space<hbm>>
    tpu.wait_indirect_dma semaphore(%arg13 : memref<!tpu.dma_semaphore, #tpu.memory_space<semaphore_mem>>) src(%dma_wait3A_842 : memref<100000xf32, #tpu.memory_space<hbm>>) dst(%dma_wait3A_834 : memref<128xf32, #tpu.memory_space<vmem>>)
    %get3A_843 = arith.constant 3 : i32
    %get3A_844 = arith.index_cast %get3A_843 : i32 to index
    %get3A_845 = arith.constant 0 : index
    %get3A_846 = tpu.vector_load %arg10[%get3A_844, %get3A_845] {strides = array<i32>} : memref<4x128xf32, #tpu.memory_space<vmem>>, vector<1x16xf32>,
    %get3A_847 = vector.shape_cast %get3A_846 : vector<1x16xf32> to vector<16xf32>
    %get3A_848 = arith.constant 3 : i32
    %get3A_849 = arith.index_cast %get3A_848 : i32 to index
    %get3A_850 = arith.constant 0 : index
    %get3A_851 = tpu.vector_load %arg11[%get3A_849, %get3A_850] {strides = array<i32>} : memref<4x128xf32, #tpu.memory_space<vmem>>, vector<1x16xf32>,
    %get3A_852 = vector.shape_cast %get3A_851 : vector<1x16xf32> to vector<16xf32>
    %add3A_853 = arith.addf %get3A_847, %get3A_852 : vector<16xf32>
    %add3A_854 = arith.addf %add3A_853, %get3A_266 : vector<16xf32>
    %swap3A_855 = arith.constant 3 : i32
    %swap3A_856 = arith.index_cast %swap3A_855 : i32 to index
    %swap3A_857 = arith.constant 0 : index
    %swap3A_858 = tpu.vector_load %arg10[%swap3A_856, %swap3A_857] {strides = array<i32>} : memref<4x128xf32, #tpu.memory_space<vmem>>, vector<1x16xf32>,
    %swap3A_859 = vector.shape_cast %swap3A_858 : vector<1x16xf32> to vector<16xf32>
    %swap3A_860 = vector.shape_cast %add3A_854 : vector<16xf32> to vector<1x16xf32>
    tpu.vector_store %arg10[%swap3A_856, %swap3A_857], %swap3A_860 {strides = array<i32>} : memref<4x128xf32, #tpu.memory_space<vmem>>, vector<1x16xf32>,
    %get3A_861 = arith.constant 3 : i32
    %get3A_862 = arith.index_cast %get3A_861 : i32 to index
    %get3A_863 = arith.constant 16 : index
    %get3A_864 = tpu.vector_load %arg10[%get3A_862, %get3A_863] {strides = array<i32>} : memref<4x128xf32, #tpu.memory_space<vmem>>, vector<1x16xf32>,
    %get3A_865 = vector.shape_cast %get3A_864 : vector<1x16xf32> to vector<16xf32>
    %get3A_866 = arith.constant 3 : i32
    %get3A_867 = arith.index_cast %get3A_866 : i32 to index
    %get3A_868 = arith.constant 16 : index
    %get3A_869 = tpu.vector_load %arg11[%get3A_867, %get3A_868] {strides = array<i32>} : memref<4x128xf32, #tpu.memory_space<vmem>>, vector<1x16xf32>,
    %get3A_870 = vector.shape_cast %get3A_869 : vector<1x16xf32> to vector<16xf32>
    %add3A_871 = arith.addf %get3A_865, %get3A_870 : vector<16xf32>
    %add3A_872 = arith.addf %add3A_871, %get3A_266 : vector<16xf32>
    %swap3A_873 = arith.constant 3 : i32
    %swap3A_874 = arith.index_cast %swap3A_873 : i32 to index
    %swap3A_875 = arith.constant 16 : index
    %swap3A_876 = tpu.vector_load %arg10[%swap3A_874, %swap3A_875] {strides = array<i32>} : memref<4x128xf32, #tpu.memory_space<vmem>>, vector<1x16xf32>,
    %swap3A_877 = vector.shape_cast %swap3A_876 : vector<1x16xf32> to vector<16xf32>
    %swap3A_878 = vector.shape_cast %add3A_872 : vector<16xf32> to vector<1x16xf32>
    tpu.vector_store %arg10[%swap3A_874, %swap3A_875], %swap3A_878 {strides = array<i32>} : memref<4x128xf32, #tpu.memory_space<vmem>>, vector<1x16xf32>,
    %get3A_879 = arith.constant 3 : i32
    %get3A_880 = arith.index_cast %get3A_879 : i32 to index
    %get3A_881 = arith.constant 32 : index
    %get3A_882 = tpu.vector_load %arg10[%get3A_880, %get3A_881] {strides = array<i32>} : memref<4x128xf32, #tpu.memory_space<vmem>>, vector<1x16xf32>,
    %get3A_883 = vector.shape_cast %get3A_882 : vector<1x16xf32> to vector<16xf32>
    %get3A_884 = arith.constant 3 : i32
    %get3A_885 = arith.index_cast %get3A_884 : i32 to index
    %get3A_886 = arith.constant 32 : index
    %get3A_887 = tpu.vector_load %arg11[%get3A_885, %get3A_886] {strides = array<i32>} : memref<4x128xf32, #tpu.memory_space<vmem>>, vector<1x16xf32>,
    %get3A_888 = vector.shape_cast %get3A_887 : vector<1x16xf32> to vector<16xf32>
    %add3A_889 = arith.addf %get3A_883, %get3A_888 : vector<16xf32>
    %add3A_890 = arith.addf %add3A_889, %get3A_266 : vector<16xf32>
    %swap3A_891 = arith.constant 3 : i32
    %swap3A_892 = arith.index_cast %swap3A_891 : i32 to index
    %swap3A_893 = arith.constant 32 : index
    %swap3A_894 = tpu.vector_load %arg10[%swap3A_892, %swap3A_893] {strides = array<i32>} : memref<4x128xf32, #tpu.memory_space<vmem>>, vector<1x16xf32>,
    %swap3A_895 = vector.shape_cast %swap3A_894 : vector<1x16xf32> to vector<16xf32>
    %swap3A_896 = vector.shape_cast %add3A_890 : vector<16xf32> to vector<1x16xf32>
    tpu.vector_store %arg10[%swap3A_892, %swap3A_893], %swap3A_896 {strides = array<i32>} : memref<4x128xf32, #tpu.memory_space<vmem>>, vector<1x16xf32>,
    %get3A_897 = arith.constant 3 : i32
    %get3A_898 = arith.index_cast %get3A_897 : i32 to index
    %get3A_899 = arith.constant 48 : index
    %get3A_900 = tpu.vector_load %arg10[%get3A_898, %get3A_899] {strides = array<i32>} : memref<4x128xf32, #tpu.memory_space<vmem>>, vector<1x16xf32>,
    %get3A_901 = vector.shape_cast %get3A_900 : vector<1x16xf32> to vector<16xf32>
    %get3A_902 = arith.constant 3 : i32
    %get3A_903 = arith.index_cast %get3A_902 : i32 to index
    %get3A_904 = arith.constant 48 : index
    %get3A_905 = tpu.vector_load %arg11[%get3A_903, %get3A_904] {strides = array<i32>} : memref<4x128xf32, #tpu.memory_space<vmem>>, vector<1x16xf32>,
    %get3A_906 = vector.shape_cast %get3A_905 : vector<1x16xf32> to vector<16xf32>
    %add3A_907 = arith.addf %get3A_901, %get3A_906 : vector<16xf32>
    %add3A_908 = arith.addf %add3A_907, %get3A_266 : vector<16xf32>
    %swap3A_909 = arith.constant 3 : i32
    %swap3A_910 = arith.index_cast %swap3A_909 : i32 to index
    %swap3A_911 = arith.constant 48 : index
    %swap3A_912 = tpu.vector_load %arg10[%swap3A_910, %swap3A_911] {strides = array<i32>} : memref<4x128xf32, #tpu.memory_space<vmem>>, vector<1x16xf32>,
    %swap3A_913 = vector.shape_cast %swap3A_912 : vector<1x16xf32> to vector<16xf32>
    %swap3A_914 = vector.shape_cast %add3A_908 : vector<16xf32> to vector<1x16xf32>
    tpu.vector_store %arg10[%swap3A_910, %swap3A_911], %swap3A_914 {strides = array<i32>} : memref<4x128xf32, #tpu.memory_space<vmem>>, vector<1x16xf32>,
    %get3A_915 = arith.constant 3 : i32
    %get3A_916 = arith.index_cast %get3A_915 : i32 to index
    %get3A_917 = arith.constant 64 : index
    %get3A_918 = tpu.vector_load %arg10[%get3A_916, %get3A_917] {strides = array<i32>} : memref<4x128xf32, #tpu.memory_space<vmem>>, vector<1x16xf32>,
    %get3A_919 = vector.shape_cast %get3A_918 : vector<1x16xf32> to vector<16xf32>
    %get3A_920 = arith.constant 3 : i32
    %get3A_921 = arith.index_cast %get3A_920 : i32 to index
    %get3A_922 = arith.constant 64 : index
    %get3A_923 = tpu.vector_load %arg11[%get3A_921, %get3A_922] {strides = array<i32>} : memref<4x128xf32, #tpu.memory_space<vmem>>, vector<1x16xf32>,
    %get3A_924 = vector.shape_cast %get3A_923 : vector<1x16xf32> to vector<16xf32>
    %add3A_925 = arith.addf %get3A_919, %get3A_924 : vector<16xf32>
    %add3A_926 = arith.addf %add3A_925, %get3A_266 : vector<16xf32>
    %swap3A_927 = arith.constant 3 : i32
    %swap3A_928 = arith.index_cast %swap3A_927 : i32 to index
    %swap3A_929 = arith.constant 64 : index
    %swap3A_930 = tpu.vector_load %arg10[%swap3A_928, %swap3A_929] {strides = array<i32>} : memref<4x128xf32, #tpu.memory_space<vmem>>, vector<1x16xf32>,
    %swap3A_931 = vector.shape_cast %swap3A_930 : vector<1x16xf32> to vector<16xf32>
    %swap3A_932 = vector.shape_cast %add3A_926 : vector<16xf32> to vector<1x16xf32>
    tpu.vector_store %arg10[%swap3A_928, %swap3A_929], %swap3A_932 {strides = array<i32>} : memref<4x128xf32, #tpu.memory_space<vmem>>, vector<1x16xf32>,
    %get3A_933 = arith.constant 3 : i32
    %get3A_934 = arith.index_cast %get3A_933 : i32 to index
    %get3A_935 = arith.constant 80 : index
    %get3A_936 = tpu.vector_load %arg10[%get3A_934, %get3A_935] {strides = array<i32>} : memref<4x128xf32, #tpu.memory_space<vmem>>, vector<1x16xf32>,
    %get3A_937 = vector.shape_cast %get3A_936 : vector<1x16xf32> to vector<16xf32>
    %get3A_938 = arith.constant 3 : i32
    %get3A_939 = arith.index_cast %get3A_938 : i32 to index
    %get3A_940 = arith.constant 80 : index
    %get3A_941 = tpu.vector_load %arg11[%get3A_939, %get3A_940] {strides = array<i32>} : memref<4x128xf32, #tpu.memory_space<vmem>>, vector<1x16xf32>,
    %get3A_942 = vector.shape_cast %get3A_941 : vector<1x16xf32> to vector<16xf32>
    %add3A_943 = arith.addf %get3A_937, %get3A_942 : vector<16xf32>
    %add3A_944 = arith.addf %add3A_943, %get3A_266 : vector<16xf32>
    %swap3A_945 = arith.constant 3 : i32
    %swap3A_946 = arith.index_cast %swap3A_945 : i32 to index
    %swap3A_947 = arith.constant 80 : index
    %swap3A_948 = tpu.vector_load %arg10[%swap3A_946, %swap3A_947] {strides = array<i32>} : memref<4x128xf32, #tpu.memory_space<vmem>>, vector<1x16xf32>,
    %swap3A_949 = vector.shape_cast %swap3A_948 : vector<1x16xf32> to vector<16xf32>
    %swap3A_950 = vector.shape_cast %add3A_944 : vector<16xf32> to vector<1x16xf32>
    tpu.vector_store %arg10[%swap3A_946, %swap3A_947], %swap3A_950 {strides = array<i32>} : memref<4x128xf32, #tpu.memory_space<vmem>>, vector<1x16xf32>,
    %get3A_951 = arith.constant 3 : i32
    %get3A_952 = arith.index_cast %get3A_951 : i32 to index
    %get3A_953 = arith.constant 96 : index
    %get3A_954 = tpu.vector_load %arg10[%get3A_952, %get3A_953] {strides = array<i32>} : memref<4x128xf32, #tpu.memory_space<vmem>>, vector<1x16xf32>,
    %get3A_955 = vector.shape_cast %get3A_954 : vector<1x16xf32> to vector<16xf32>
    %get3A_956 = arith.constant 3 : i32
    %get3A_957 = arith.index_cast %get3A_956 : i32 to index
    %get3A_958 = arith.constant 96 : index
    %get3A_959 = tpu.vector_load %arg11[%get3A_957, %get3A_958] {strides = array<i32>} : memref<4x128xf32, #tpu.memory_space<vmem>>, vector<1x16xf32>,
    %get3A_960 = vector.shape_cast %get3A_959 : vector<1x16xf32> to vector<16xf32>
    %add3A_961 = arith.addf %get3A_955, %get3A_960 : vector<16xf32>
    %add3A_962 = arith.addf %add3A_961, %get3A_266 : vector<16xf32>
    %swap3A_963 = arith.constant 3 : i32
    %swap3A_964 = arith.index_cast %swap3A_963 : i32 to index
    %swap3A_965 = arith.constant 96 : index
    %swap3A_966 = tpu.vector_load %arg10[%swap3A_964, %swap3A_965] {strides = array<i32>} : memref<4x128xf32, #tpu.memory_space<vmem>>, vector<1x16xf32>,
    %swap3A_967 = vector.shape_cast %swap3A_966 : vector<1x16xf32> to vector<16xf32>
    %swap3A_968 = vector.shape_cast %add3A_962 : vector<16xf32> to vector<1x16xf32>
    tpu.vector_store %arg10[%swap3A_964, %swap3A_965], %swap3A_968 {strides = array<i32>} : memref<4x128xf32, #tpu.memory_space<vmem>>, vector<1x16xf32>,
    %get3A_969 = arith.constant 3 : i32
    %get3A_970 = arith.index_cast %get3A_969 : i32 to index
    %get3A_971 = arith.constant 112 : index
    %get3A_972 = tpu.vector_load %arg10[%get3A_970, %get3A_971] {strides = array<i32>} : memref<4x128xf32, #tpu.memory_space<vmem>>, vector<1x16xf32>,
    %get3A_973 = vector.shape_cast %get3A_972 : vector<1x16xf32> to vector<16xf32>
    %get3A_974 = arith.constant 3 : i32
    %get3A_975 = arith.index_cast %get3A_974 : i32 to index
    %get3A_976 = arith.constant 112 : index
    %get3A_977 = tpu.vector_load %arg11[%get3A_975, %get3A_976] {strides = array<i32>} : memref<4x128xf32, #tpu.memory_space<vmem>>, vector<1x16xf32>,
    %get3A_978 = vector.shape_cast %get3A_977 : vector<1x16xf32> to vector<16xf32>
    %add3A_979 = arith.addf %get3A_973, %get3A_978 : vector<16xf32>
    %add3A_980 = arith.addf %add3A_979, %get3A_266 : vector<16xf32>
    %swap3A_981 = arith.constant 3 : i32
    %swap3A_982 = arith.index_cast %swap3A_981 : i32 to index
    %swap3A_983 = arith.constant 112 : index
    %swap3A_984 = tpu.vector_load %arg10[%swap3A_982, %swap3A_983] {strides = array<i32>} : memref<4x128xf32, #tpu.memory_space<vmem>>, vector<1x16xf32>,
    %swap3A_985 = vector.shape_cast %swap3A_984 : vector<1x16xf32> to vector<16xf32>
    %swap3A_986 = vector.shape_cast %add3A_980 : vector<16xf32> to vector<1x16xf32>
    tpu.vector_store %arg10[%swap3A_982, %swap3A_983], %swap3A_986 {strides = array<i32>} : memref<4x128xf32, #tpu.memory_space<vmem>>, vector<1x16xf32>,
    %add3A_987 = arith.constant 384 : i32
    %add3A_988 = arith.addi %mul3A_2, %add3A_987 : i32
    %dma_start3A_989 = arith.constant 3 : i32
    %dma_start3A_990 = arith.constant 0 : i32
    %dma_start3A_991 = tpu.memref_slice %arg10[%dma_start3A_989, %dma_start3A_990] : memref<4x128xf32, #tpu.memory_space<vmem>> -> memref<1x128xf32, #tpu.memory_space<vmem>>
    %dma_start3A_992 = tpu.memref_squeeze %dma_start3A_991 : memref<1x128xf32, #tpu.memory_space<vmem>> -> memref<128xf32, #tpu.memory_space<vmem>>
    %dma_start3A_993 = tpu.memref_slice %arg7[%add3A_988] : memref<16384xf32, #tpu.memory_space<hbm>> -> memref<128xf32, #tpu.memory_space<hbm>>
    %dma_start3A_994 = tpu.memref_slice %arg7[%add3A_988] : memref<16384xf32, #tpu.memory_space<hbm>> -> memref<128xf32, #tpu.memory_space<hbm>>
    %dma_start3A_995 = arith.constant 0 : i32
    %dma_start3A_996 = tpu.memref_slice %arg10[%dma_start3A_989, %dma_start3A_995] : memref<4x128xf32, #tpu.memory_space<vmem>> -> memref<1x128xf32, #tpu.memory_space<vmem>>
    %dma_start3A_997 = tpu.memref_squeeze %dma_start3A_996 : memref<1x128xf32, #tpu.memory_space<vmem>> -> memref<128xf32, #tpu.memory_space<vmem>>
    tpu.enqueue_dma source(%dma_start3A_997 : memref<128xf32, #tpu.memory_space<vmem>>) target(%dma_start3A_994 : memref<128xf32, #tpu.memory_space<hbm>>) target_semaphore(%arg15 : memref<!tpu.dma_semaphore, #tpu.memory_space<semaphore_mem>>)
    %dma_wait3A_998 = arith.constant 0 : i32
    %dma_wait3A_999 = arith.constant 0 : i32
    %dma_wait3A_1000 = tpu.memref_slice %arg10[%dma_wait3A_998, %dma_wait3A_999] : memref<4x128xf32, #tpu.memory_space<vmem>> -> memref<1x128xf32, #tpu.memory_space<vmem>>
    %dma_wait3A_1001 = tpu.memref_squeeze %dma_wait3A_1000 : memref<1x128xf32, #tpu.memory_space<vmem>> -> memref<128xf32, #tpu.memory_space<vmem>>
    %dma_wait3A_1002 = tpu.memref_slice %arg7[%add3A_439] : memref<16384xf32, #tpu.memory_space<hbm>> -> memref<128xf32, #tpu.memory_space<hbm>>
    %dma_wait3A_1003 = tpu.memref_slice %arg7[%add3A_439] : memref<16384xf32, #tpu.memory_space<hbm>> -> memref<128xf32, #tpu.memory_space<hbm>>
    %dma_wait3A_1004 = arith.constant 0 : i32
    %dma_wait3A_1005 = tpu.memref_slice %arg10[%dma_wait3A_998, %dma_wait3A_1004] : memref<4x128xf32, #tpu.memory_space<vmem>> -> memref<1x128xf32, #tpu.memory_space<vmem>>
    %dma_wait3A_1006 = tpu.memref_squeeze %dma_wait3A_1005 : memref<1x128xf32, #tpu.memory_space<vmem>> -> memref<128xf32, #tpu.memory_space<vmem>>
    tpu.wait_dma2 semaphore(%arg15 : memref<!tpu.dma_semaphore, #tpu.memory_space<semaphore_mem>>) src(%dma_wait3A_1006 : memref<128xf32, #tpu.memory_space<vmem>>) dst(%dma_wait3A_1003 : memref<128xf32, #tpu.memory_space<hbm>>)
    %dma_wait3A_1007 = arith.constant 1 : i32
    %dma_wait3A_1008 = arith.constant 0 : i32
    %dma_wait3A_1009 = tpu.memref_slice %arg10[%dma_wait3A_1007, %dma_wait3A_1008] : memref<4x128xf32, #tpu.memory_space<vmem>> -> memref<1x128xf32, #tpu.memory_space<vmem>>
    %dma_wait3A_1010 = tpu.memref_squeeze %dma_wait3A_1009 : memref<1x128xf32, #tpu.memory_space<vmem>> -> memref<128xf32, #tpu.memory_space<vmem>>
    %dma_wait3A_1011 = tpu.memref_slice %arg7[%add3A_622] : memref<16384xf32, #tpu.memory_space<hbm>> -> memref<128xf32, #tpu.memory_space<hbm>>
    %dma_wait3A_1012 = tpu.memref_slice %arg7[%add3A_622] : memref<16384xf32, #tpu.memory_space<hbm>> -> memref<128xf32, #tpu.memory_space<hbm>>
    %dma_wait3A_1013 = arith.constant 0 : i32
    %dma_wait3A_1014 = tpu.memref_slice %arg10[%dma_wait3A_1007, %dma_wait3A_1013] : memref<4x128xf32, #tpu.memory_space<vmem>> -> memref<1x128xf32, #tpu.memory_space<vmem>>
    %dma_wait3A_1015 = tpu.memref_squeeze %dma_wait3A_1014 : memref<1x128xf32, #tpu.memory_space<vmem>> -> memref<128xf32, #tpu.memory_space<vmem>>
    tpu.wait_dma2 semaphore(%arg15 : memref<!tpu.dma_semaphore, #tpu.memory_space<semaphore_mem>>) src(%dma_wait3A_1015 : memref<128xf32, #tpu.memory_space<vmem>>) dst(%dma_wait3A_1012 : memref<128xf32, #tpu.memory_space<hbm>>)
    %dma_wait3A_1016 = arith.constant 2 : i32
    %dma_wait3A_1017 = arith.constant 0 : i32
    %dma_wait3A_1018 = tpu.memref_slice %arg10[%dma_wait3A_1016, %dma_wait3A_1017] : memref<4x128xf32, #tpu.memory_space<vmem>> -> memref<1x128xf32, #tpu.memory_space<vmem>>
    %dma_wait3A_1019 = tpu.memref_squeeze %dma_wait3A_1018 : memref<1x128xf32, #tpu.memory_space<vmem>> -> memref<128xf32, #tpu.memory_space<vmem>>
    %dma_wait3A_1020 = tpu.memref_slice %arg7[%add3A_805] : memref<16384xf32, #tpu.memory_space<hbm>> -> memref<128xf32, #tpu.memory_space<hbm>>
    %dma_wait3A_1021 = tpu.memref_slice %arg7[%add3A_805] : memref<16384xf32, #tpu.memory_space<hbm>> -> memref<128xf32, #tpu.memory_space<hbm>>
    %dma_wait3A_1022 = arith.constant 0 : i32
    %dma_wait3A_1023 = tpu.memref_slice %arg10[%dma_wait3A_1016, %dma_wait3A_1022] : memref<4x128xf32, #tpu.memory_space<vmem>> -> memref<1x128xf32, #tpu.memory_space<vmem>>
    %dma_wait3A_1024 = tpu.memref_squeeze %dma_wait3A_1023 : memref<1x128xf32, #tpu.memory_space<vmem>> -> memref<128xf32, #tpu.memory_space<vmem>>
    tpu.wait_dma2 semaphore(%arg15 : memref<!tpu.dma_semaphore, #tpu.memory_space<semaphore_mem>>) src(%dma_wait3A_1024 : memref<128xf32, #tpu.memory_space<vmem>>) dst(%dma_wait3A_1021 : memref<128xf32, #tpu.memory_space<hbm>>)
    %dma_wait3A_1025 = arith.constant 3 : i32
    %dma_wait3A_1026 = arith.constant 0 : i32
    %dma_wait3A_1027 = tpu.memref_slice %arg10[%dma_wait3A_1025, %dma_wait3A_1026] : memref<4x128xf32, #tpu.memory_space<vmem>> -> memref<1x128xf32, #tpu.memory_space<vmem>>
    %dma_wait3A_1028 = tpu.memref_squeeze %dma_wait3A_1027 : memref<1x128xf32, #tpu.memory_space<vmem>> -> memref<128xf32, #tpu.memory_space<vmem>>
    %dma_wait3A_1029 = tpu.memref_slice %arg7[%add3A_988] : memref<16384xf32, #tpu.memory_space<hbm>> -> memref<128xf32, #tpu.memory_space<hbm>>
    %dma_wait3A_1030 = tpu.memref_slice %arg7[%add3A_988] : memref<16384xf32, #tpu.memory_space<hbm>> -> memref<128xf32, #tpu.memory_space<hbm>>
    %dma_wait3A_1031 = arith.constant 0 : i32
    %dma_wait3A_1032 = tpu.memref_slice %arg10[%dma_wait3A_1025, %dma_wait3A_1031] : memref<4x128xf32, #tpu.memory_space<vmem>> -> memref<1x128xf32, #tpu.memory_space<vmem>>
    %dma_wait3A_1033 = tpu.memref_squeeze %dma_wait3A_1032 : memref<1x128xf32, #tpu.memory_space<vmem>> -> memref<128xf32, #tpu.memory_space<vmem>>
    tpu.wait_dma2 semaphore(%arg15 : memref<!tpu.dma_semaphore, #tpu.memory_space<semaphore_mem>>) src(%dma_wait3A_1033 : memref<128xf32, #tpu.memory_space<vmem>>) dst(%dma_wait3A_1030 : memref<128xf32, #tpu.memory_space<hbm>>)
    return
  }
}

</mosaic_0001>

<sc_bundles>
// kernel: kernel.3.cloned.1.call-start
scs
__scs_entry_jumppad:
0x0: {  	(pc) =	sbr.rel $0x88, $3  }
0x1: {  	(tag) =	ssettag $0x0;
	lr =	simm.s32 $0x1  }
0x2: {  	[smem:$0x3F9C] =	sst lr;
	_ =	strace $0xD0000000  }
0x3: {  	_ = 	snop  }
0x4: {  	_ = 	snop  }
0x5: {  	_ = 	snop  }
0x6: {  	_ = 	snop  }
0x7: {  	_ = 	snop  }
__scs_overlays_trampoline_lowered:
0x8: {  	[smem:$0x3FAB] =	sst s0  }
0x9: {  	[smem:$0x3FAC] =	sst s1  }
0xa: {  	[smem:$0x3FAD] =	sst s2  }
0xb: {  	[smem:$0x3FAE] =	sst s3  }
0xc: {  	[smem:$0x3FAF] =	sst s4  }
0xd: {  	[smem:$0x3FB0] =	sst s5  }
0xe: {  	[smem:$0x3FB1] =	sst s6  }
0xf: {  	[smem:$0x3FB2] =	sst s7  }
0x10: {  	[smem:$0x3FB3] =	sst s8  }
0x11: {  	[smem:$0x3FB4] =	sst s9;
	s0 =	simm.s32 @!p0 $0x0  }
0x12: {  	s1 =	sld [smem:$0x3F9A];
	s0 =	simm.s32 @p0 $0x1  }
0x13: {  	[smem:$0x3FB5] =	sst s0;
	s0 =	simm.s32 @!p1 $0x0  }
0x14: {  	s2 =	sld [smem:$0x3F99];
	s0 =	simm.s32 @p1 $0x1  }
0x15: {  	[smem:$0x3FB6] =	sst s0;
	s0 =	simm.s32 @!p2 $0x0  }
0x16: {  	s3 =	sld [smem:$0x3FDB];
	s0 =	simm.s32 @p2 $0x1  }
0x17: {  	s4 =	simm.s32 $0x1BF5;
	[smem:$0x3FB8] =	sst s0  }
0x18: {  	s0 =	sld [smem:$0x3F9B];
	_ =	swait.ge [sflag:s4], $0x0  }
0x19: {  	s7 =	sld [smem:$0x3F9C]  }
0x1a: {  	s8 =	sadd.s32 $0xFFFFE003, lr  }
0x1b: {  	s9 =	sadd.s32 $0xFFFFFEF7, lr;
	s5 =	simm.s32 $0xFFFFFFFF;
	p2 =	slt.u32 s8, $0xFFFFF086  }
0x1c: {  	p1 =	slt.u32 s9, $0xF7A;
	s5 =	simm.s32 @!p2 $0x0  }
0x1d: {  	s5 =	simm.s32 @p1 $0x1;
	p0 =	seq.s32 s7, s2  }
0x1e: {  	s7 =	smul.u32 @!p0 $0xF7A, s2;
	p2 =	seq.s32 @!p0 s5, $0x0  }
0x1f: {  	s9 =	smul.u32 $0xF7A, s1;
	s8 =	simm.s32 @!p0 $0x1BF5;
	p2 =	por !p2, p0  }
0x20: {  	[sflag:s8] =	ssyncset.s32 @!p0 $0xFFFFF086;
	s6 =	sadd.s32 @!p0 s3, s7;
	s7 =	simm.s32 @!p0 $0x108  }
0x21: {  	s3 =	sadd.s32 s3, s9;
	s6 =	sadd.s32 @!p0 $0x88, s6;
	s7 =	simm.s32 @p2 $0x1082  }
0x22: {  	[simem:s7], [sflag:s8] =	dma.local @!p0 [hbm:s6], $0xF7A  }
0x23: {  	s9 =	sor.u32 $0xD0000000, s2;
	s6 =	simm.s32 $0x108;
	_ =	swait.ge @!p0 [sflag:s8], $0x0  }
0x24: {  	s3 =	sadd.s32 $0x88, s3;
	s6 =	simm.s32 @!p1 $0x1082;
	[sflag:s4] =	ssyncset.s32 $0xFFFFF086  }
0x25: {  	[simem:s6], [sflag:s4] =	dma.local [hbm:s3], $0xF7A  }
0x26: {  	[smem:$0x3F9C] =	sst s1;
	(tag) =	ssettag s2;
	_ =	strace s9  }
0x27: {  	s1 =	sld [smem:$0x3FAC]  }
0x28: {  	s2 =	sld [smem:$0x3FAD]  }
0x29: {  	s4 =	sld [smem:$0x3FAF]  }
0x2a: {  	p0 =	seq.s32 s5, $0x0;
	s5 =	sld [smem:$0x3FB0]  }
0x2b: {  	s6 =	sld [smem:$0x3FB1]  }
0x2c: {  	s7 =	sld [smem:$0x3FB2]  }
0x2d: {  	s3 =	simm.s32 $0x108;
	s8 =	sld [smem:$0x3FB3]  }
0x2e: {  	s3 =	simm.s32 @!p0 $0x1082;
	s9 =	sld [smem:$0x3FB4]  }
0x2f: {  	lr =	sadd.s32 s0, s3;
	s0 =	sld [smem:$0x3FAB]  }
0x30: {  	s3 =	sld [smem:$0x3FAE]  }
0x31: {  	[smem:$0x3FB7] =	sst s10  }
0x32: {  	s10 =	sld [smem:$0x3FB5];
	_ =	sdelay $0x3  }
0x33: {  	p0 =	seq.s32 s10, $0x1;
	s10 =	sld [smem:$0x3FB7];
	_ =	sdelay $0x3  }
0x34: {  	[smem:$0x3FB7] =	sst s10  }
0x35: {  	s10 =	sld [smem:$0x3FB6];
	_ =	sdelay $0x3  }
0x36: {  	p1 =	seq.s32 s10, $0x1;
	s10 =	sld [smem:$0x3FB7];
	_ =	sdelay $0x3  }
0x37: {  	[smem:$0x3FB7] =	sst s10  }
0x38: {  	s10 =	sld [smem:$0x3FB8]  }
0x39: {  	_ = 	snop;
	(pc) =	sbr.ind lr, $3  }
0x3a: {  	_ = 	snop  }
0x3b: {  	_ = 	snop  }
0x3c: {  	p2 =	seq.s32 s10, $0x1;
	s10 =	sld [smem:$0x3FB7]  }
0x3d: {  	_ =	shalt  }
0x3e: {  	_ =	shalt  }
0x3f: {  	_ =	shalt  }
0x40: {  	_ =	shalt  }
0x41: {  	_ =	shalt  }
0x42: {  	_ =	shalt  }
0x43: {  	_ =	shalt  }
0x44: {  	_ =	shalt  }
0x45: {  	_ =	shalt  }
0x46: {  	_ =	shalt  }
0x47: {  	_ =	shalt  }
0x48: {  	_ =	shalt  }
0x49: {  	_ =	shalt  }
0x4a: {  	_ =	shalt  }
0x4b: {  	_ =	shalt  }
0x4c: {  	_ =	shalt  }
0x4d: {  	_ =	shalt  }
0x4e: {  	_ =	shalt  }
0x4f: {  	_ =	shalt  }
0x50: {  	_ =	shalt  }
0x51: {  	_ =	shalt  }
0x52: {  	_ =	shalt  }
0x53: {  	_ =	shalt  }
0x54: {  	_ =	shalt  }
0x55: {  	_ =	shalt  }
0x56: {  	_ =	shalt  }
0x57: {  	_ =	shalt  }
0x58: {  	_ =	shalt  }
0x59: {  	_ =	shalt  }
0x5a: {  	_ =	shalt  }
0x5b: {  	_ =	shalt  }
0x5c: {  	_ =	shalt  }
0x5d: {  	_ =	shalt  }
0x5e: {  	_ =	shalt  }
0x5f: {  	_ =	shalt  }
0x60: {  	_ =	shalt  }
0x61: {  	_ =	shalt  }
0x62: {  	_ =	shalt  }
0x63: {  	_ =	shalt  }
0x64: {  	_ =	shalt  }
0x65: {  	_ =	shalt  }
0x66: {  	_ =	shalt  }
0x67: {  	_ =	shalt  }
0x68: {  	_ =	shalt  }
0x69: {  	_ =	shalt  }
0x6a: {  	_ =	shalt  }
0x6b: {  	_ =	shalt  }
0x6c: {  	_ =	shalt  }
0x6d: {  	_ =	shalt  }
0x6e: {  	_ =	shalt  }
0x6f: {  	_ =	shalt  }
0x70: {  	_ =	shalt  }
0x71: {  	_ =	shalt  }
0x72: {  	_ =	shalt  }
0x73: {  	_ =	shalt  }
0x74: {  	_ =	shalt  }
0x75: {  	_ =	shalt  }
0x76: {  	_ =	shalt  }
0x77: {  	_ =	shalt  }
0x78: {  	_ =	shalt  }
0x79: {  	_ =	shalt  }
0x7a: {  	_ =	shalt  }
0x7b: {  	_ =	shalt  }
0x7c: {  	_ =	shalt  }
0x7d: {  	_ =	shalt  }
0x7e: {  	_ =	shalt  }
0x7f: {  	_ =	shalt  }
0x80: {  	_ =	shalt  }
0x81: {  	_ =	shalt  }
0x82: {  	_ =	shalt  }
0x83: {  	_ =	shalt  }
0x84: {  	_ =	shalt  }
0x85: {  	_ =	shalt  }
0x86: {  	_ =	shalt  }
0x87: {  	_ =	shalt  }
.Lfunc_end0:
.L_simem_size_0:
called_computation_lowered:
.L_overlay_start_0:
0x88: {  	s2 =	sld [smem:$0x3FD9]  }
0x89: {  	s3 =	sld [smem:$0x3FFE];
	_ =	sdelay $0x1  }
0x8a: {  	s1 =	srdreg.scid  }
0x8b: {  	s0 =	sand.u32 $0x1, s1  }
0x8c: {  	s17 =	sshll.u32 s0, $0xA;
	s2 =	sadd.s32 s3, s2  }
0x8d: {  	s2 =	sadd.s32 s2, s17  }
0x8e: {  	[smem:$0x3FC3] =	sst s2  }
0x8f: {  	_ = 	snop  }
0x90: {  	s2 =	sld [smem:$0x3FC9]  }
0x91: {  	s18 =	sld [smem:$0x3FC8]  }
0x92: {  	s4 =	sld [smem:$0x3FC7]  }
0x93: {  	s5 =	sld [smem:$0x3FC6]  }
0x94: {  	s6 =	sld [smem:$0x3FD0];
	(tm) =	ssettm $0x1  }
0x95: {  	s7 =	sld [smem:$0x3FFB];
	_ =	sdelay $0x3  }
0x96: {  	_ =	strace s7  }
0x97: {  	s7 =	sld [smem:$0x3FFC];
	_ =	sdelay $0x3  }
0x98: {  	_ =	strace s7  }
0x99: {  	s7 =	sld [smem:$0x3FFD];
	_ =	sdelay $0x3  }
0x9a: {  	_ =	strace s7  }
0x9b: {  	_ =	strace $0x8FFFFFFF  }
0x9c: {  	s19 =	sld [smem:$0x3FDB];
	_ =	sdelay $0x1  }
0x9d: {  	s8 =	simm.s32 $_scs_section_size  }
0x9e: {  	s9 =	simm.s32 $_size__tile_overlayer_lowered;
	s10 =	simm.s32 $_tile_overlayer_lowered  }
0x9f: {  	s22 =	simm.s32 $0x1BFF;
	s21 =	sshll.u32 s10, $0x1;
	s7 =	sadd.s32 s8, s19  }
0xa0: {  	s11 =	simm.s32 $0x0;
	s20 =	sshll.u32 s9, $0x1;
	s9 =	sadd.s32 s21, s7  }
0xa1: {  	[timem:s11], [sflag:s22] =	dma.local [hbm:s9], s20  }
0xa2: {  	_ =	swait.ge [sflag:s22], s20  }
0xa3: {  	s8 =	ssub.s32 $0x0, s20;
	[sflag:s22] =	ssyncset.done $0x0  }
0xa4: {  	[sflag:s22] =	ssyncadd.s32 s8;
	_ =	sdelay $0x1  }
0xa5: {  	s23 =	simm.s32 $0x1B8B  }
0xa6: {  	_ =	swait.ge [sflag:s23], $0x1  }
0xa7: {  	[sflag:s23] =	ssyncset.done $0x0  }
0xa8: {  	s25 =	simm.s32 $0x1B8E;
	s24 =	sld [smem:$0x3FFE];
	[sflag:s23] =	ssyncadd.s32 $0xFFFFFFFF  }
0xa9: {  	s26 =	simm.s32 $execute0_lowered;
	[smem:$0x3FD2] =	sst s25  }
0xaa: {  	s9 =	sshll.u32 s26, $0x1;
	_ =	strace $0x80000046;
	[dreg:$0x1] =	wrdreg $0xFFFFFFFF  }
0xab: {  	s28 =	simm.s32 $_size_execute0_lowered;
	s7 =	sadd.s32 s7, s9;
	[dreg:$0x0] =	wrdreg $0x0  }
0xac: {  	s9 =	sshll.u32 s28, $0x1;
	[dreg:$0x2] =	wrdreg s7  }
0xad: {  	[dreg:$0x3] =	wrdreg s9  }
0xae: {  	[dreg:$0x4] =	wrdreg $0xC0  }
0xaf: {  	_ =	task [dreg:s11], $0x5FFFF  }
0xb0: {  	[dreg:$0x1] =	wrdreg $0xFFFFFFFF  }
0xb1: {  	[dreg:$0x0] =	wrdreg $0x60  }
0xb2: {  	[dreg:$0x2] =	wrdreg s2  }
0xb3: {  	[dreg:$0x3] =	wrdreg s18  }
0xb4: {  	[dreg:$0x4] =	wrdreg s4  }
0xb5: {  	[dreg:$0x5] =	wrdreg s5  }
0xb6: {  	[dreg:$0x6] =	wrdreg s24  }
0xb7: {  	[dreg:$0x7] =	wrdreg s6  }
0xb8: {  	[dreg:$0x8] =	wrdreg $0x9  }
0xb9: {  	_ =	task.clear_ibuf [dreg:s11], $0x9FFFF;
	_ =	strace $0x90000046  }
0xba: {  	s29 =	simm.s32 $0x9;
	_ =	strace $0x80000048  }
0xbb: {  	_ =	swait.ge [sflag:s29], $0x1  }
0xbc: {  	[sflag:s29] =	ssyncadd.s32 $0xFFFFFFFF  }
0xbd: {  	_ =	strace $0x90000048  }
0xbe: {  	_ =	sfence  }
0xbf: {  	s30 =	sld [smem:$0x0];
	_ =	sdelay $0x2  }
0xc0: {  	s31 =	sshll.u32 s1, $0xD;
	s1 =	sshrl.u32 s1, $0x2  }
0xc1: {  	s3 =	sand.u32 $0x4000, s31;
	s1 =	sadd.s32 s1, s30  }
0xc2: {  	s0 =	sor.u32 s3, s0;
	s1 =	sshll.u32 s1, $0x11  }
0xc3: {  	s0 =	sor.u32 s1, s0  }
0xc4: {  	s0 =	sadd.s32 $0x8F2B, s0  }
0xc5: {  	[sflag:s0] =	ssyncadd.remote.s32 $0x1  }
0xc6: {  	_ =	sfence.sel $0xFFFF  }
0xc7: {  	[dreg:$0x0] =	wrdreg $0xFFFFFFFF;
	(pc) =	sbr.abs _section_cstart, $3  }
0xc8: {  	[dreg:$0x1] =	wrdreg $0xFFFFFFFF  }
0xc9: {  	_ =	task.clear_ibuf [dreg:s11], $0x2FFFF;
	_ =	strace $0x9FFFFFFF  }
0xca: {  	(tm) =	ssettm $0x7FFFFFFF  }
0xcb: {  	_ =	shalt  }
tec
execute0_lowered:
.L_overlay_start_1:
0x0: {  	(tag) =	ssettag $0x1  }
0x1: {  	s0 =	rddreg [dreg:$0x0]  }
0x2: {  	s7 =	rddreg [dreg:$0x1]  }
0x3: {  	s1 =	rddreg [dreg:$0x2]  }
0x4: {  	s2 =	rddreg [dreg:$0x3]  }
0x5: {  	s5 =	rddreg [dreg:$0x4]  }
0x6: {  	s11 =	rddreg [dreg:$0x5];
	s6 =	srdreg.scid;
	s4 =	simm.s32 $0x0  }
0x7: {  	s3 =	stileid.u32;
	s14 =	simm.s32 $0x200;
	s15 =	simm.s32 $0x80  }
0x8: {  	s16 =	simm.s32 $0x280;
	s17 =	simm.s32 $0x100;
	s18 =	simm.s32 $0x300  }
0x9: {  	s19 =	simm.s32 $0x180;
	s20 =	simm.s32 $0x380;
	s21 =	simm.s32 $0x2  }
0xa: {  	s28 =	simm.s32 $0x700;
	s29 =	simm.s32 $0x580;
	s30 =	simm.s32 $0x780  }
0xb: {  	s31 =	simm.s32 $0x1;
	s6 =	sand.u32 $0x1, s6;
	[smem:$0x7FF] =	sst s4  }
0xc: {  	s8 =	sshll.u32 s3, $0x7;
	s5 =	sadd.s32 $0x400, s5;
	s9 =	sshll.u32 s6, $0x6  }
0xd: {  	_ =	strace $0x80000047;
	s6 =	ssub.s32 $0x2, s6;
	s8 =	sor.u32 s9, s8  }
0xe: {  	[dreg:$0x7] =	wrdreg s5;
	s12 =	sshrl.u32 s6, $0x1;
	s22 =	sadd.s32 s0, s8  }
0xf: {  	s23 =	sadd.s32 s7, s8;
	s9 =	sor.u32 $0x10, s8;
	s10 =	sor.u32 $0x20, s8  }
0x10: {  	s12 =	ssub.s32 s6, s12;
	s13 =	sor.u32 $0x30, s8;
	[dreg:$0x8] =	wrdreg s22  }
0x11: {  	s8 =	sadd.s32 s11, s8;
	[dreg:$0x9] =	wrdreg s23;
	s24 =	sadd.s32 s0, s9  }
0x12: {  	s25 =	sadd.s32 s7, s9;
	s26 =	sadd.s32 s0, s10;
	s5 =	sadd.s32 s7, s10  }
0x13: {  	s6 =	sadd.s32 s0, s13;
	s7 =	sadd.s32 s7, s13;
	s9 =	sadd.s32 s11, s9  }
0x14: {  	s10 =	sadd.s32 s11, s10;
	s11 =	sadd.s32 s11, s13;
	[dreg:$0xa] =	wrdreg s24  }
0x15: {  	s12 =	smax.u32 s12, $0x1;
	s22 =	simm.s32 $0x400;
	[dreg:$0xb] =	wrdreg s25  }
0x16: {  	s0 =	simm.s32 $0x3;
	s23 =	simm.s32 $0x800;
	[dreg:$0xc] =	wrdreg s26  }
0x17: {  	s24 =	simm.s32 $0x480;
	s25 =	simm.s32 $0x680;
	s26 =	simm.s32 $0x500  }
.LBB2_1:
0x18: {  	s3 =	rddreg [dreg:$0x7]  }
0x19: {  	[tilespmem:s23], [sflag:$0x2] =	stream.linear.gather [hbm4b:s3+s4], $0x80, $0x38;
	[tilespmem:$0x880] =	vst v63  }
0x1a: {  	s13 =	rddreg [dreg:$0x8]  }
0x1b: {  	[tilespmem:s4], [sflag:$0x2] =	stream.linear.gather [hbm4b:s13+s4], $0x80, $0x38;
	[tilespmem:$0x880] =	vst v63  }
0x1c: {  	s3 =	rddreg [dreg:$0x9]  }
0x1d: {  	[tilespmem:s14], [sflag:$0x2] =	stream.linear.gather [hbm4b:s3+s4], $0x80, $0x38;
	[tilespmem:$0x880] =	vst v63  }
0x1e: {  	s13 =	rddreg [dreg:$0xa]  }
0x1f: {  	[tilespmem:s15], [sflag:$0x2] =	stream.linear.gather [hbm4b:s13+s4], $0x80, $0x38;
	[tilespmem:$0x880] =	vst v63  }
0x20: {  	s3 =	rddreg [dreg:$0xb]  }
0x21: {  	[tilespmem:s16], [sflag:$0x2] =	stream.linear.gather [hbm4b:s3+s4], $0x80, $0x38;
	[tilespmem:$0x880] =	vst v63  }
0x22: {  	s13 =	rddreg [dreg:$0xc]  }
0x23: {  	[tilespmem:s17], [sflag:$0x2] =	stream.linear.gather [hbm4b:s13+s4], $0x80, $0x38;
	[tilespmem:$0x880] =	vst v63  }
0x24: {  	_ = 	snop  }
0x25: {  	[tilespmem:s18], [sflag:$0x2] =	stream.linear.gather [hbm4b:s5+s4], $0x80, $0x38;
	[tilespmem:$0x880] =	vst v63  }
0x26: {  	_ = 	snop  }
0x27: {  	[tilespmem:s19], [sflag:$0x2] =	stream.linear.gather [hbm4b:s6+s4], $0x80, $0x38;
	[tilespmem:$0x880] =	vst v63  }
0x28: {  	_ = 	snop  }
0x29: {  	[tilespmem:s20], [sflag:$0x2] =	stream.linear.gather [hbm4b:s7+s4], $0x80, $0x38;
	[tilespmem:$0x880] =	vst v63  }
0x2a: {  	_ =	swait.ge [sflag:s21], $0x80  }
0x2b: {  	[sflag:s21] =	ssyncset.done $0x0  }
0x2c: {  	[sflag:s21] =	ssyncadd.s32 $0xFFFFFF80  }
0x2d: {  	_ =	swait.ge [sflag:s21], $0x80  }
0x2e: {  	[sflag:s21] =	ssyncset.done $0x0  }
0x2f: {  	[sflag:s21] =	ssyncadd.s32 $0xFFFFFF80  }
0x30: {  	[tilespmem:s22], [sflag:$0x1] =	stream.indirect.gather [hbm4b:s1+s15], $0x1, s4, s15, $0xb8;
	[tilespmem:$0x880] =	vst v63  }
0x31: {  	s13 =	simm.s32 $0x600  }
0x32: {  	[tilespmem:s13], [sflag:$0x1] =	stream.indirect.gather [hbm4b:s2+s15], $0x1, s14, s15, $0xb8;
	[tilespmem:$0x880] =	vst v63  }
0x33: {  	_ =	swait.ge [sflag:s21], $0x80  }
0x34: {  	[sflag:s21] =	ssyncset.done $0x0  }
0x35: {  	[sflag:s21] =	ssyncadd.s32 $0xFFFFFF80  }
0x36: {  	_ =	swait.ge [sflag:s21], $0x80  }
0x37: {  	[sflag:s21] =	ssyncset.done $0x0  }
0x38: {  	[sflag:s21] =	ssyncadd.s32 $0xFFFFFF80  }
0x39: {  	[tilespmem:s24], [sflag:$0x1] =	stream.indirect.gather [hbm4b:s1+s15], $0x1, s15, s15, $0xb8;
	[tilespmem:$0x880] =	vst v63  }
0x3a: {  	_ = 	snop  }
0x3b: {  	[tilespmem:s25], [sflag:$0x1] =	stream.indirect.gather [hbm4b:s2+s15], $0x1, s16, s15, $0xb8;
	[tilespmem:$0x880] =	vst v63  }
0x3c: {  	_ =	swait.ge [sflag:s21], $0x80  }
0x3d: {  	[sflag:s21] =	ssyncset.done $0x0  }
0x3e: {  	[sflag:s21] =	ssyncadd.s32 $0xFFFFFF80  }
0x3f: {  	_ =	swait.ge [sflag:s21], $0x80  }
0x40: {  	[sflag:s21] =	ssyncset.done $0x0  }
0x41: {  	[sflag:s21] =	ssyncadd.s32 $0xFFFFFF80  }
0x42: {  	[tilespmem:s26], [sflag:$0x1] =	stream.indirect.gather [hbm4b:s1+s15], $0x1, s17, s15, $0xb8;
	[tilespmem:$0x880] =	vst v63  }
0x43: {  	_ = 	snop  }
0x44: {  	[tilespmem:s28], [sflag:$0x1] =	stream.indirect.gather [hbm4b:s2+s15], $0x1, s18, s15, $0xb8;
	[tilespmem:$0x880] =	vst v63  }
0x45: {  	_ =	swait.ge [sflag:s21], $0x80  }
0x46: {  	[sflag:s21] =	ssyncset.done $0x0  }
0x47: {  	[sflag:s21] =	ssyncadd.s32 $0xFFFFFF80  }
0x48: {  	_ =	swait.ge [sflag:s21], $0x80  }
0x49: {  	[sflag:s21] =	ssyncset.done $0x0  }
0x4a: {  	[sflag:s21] =	ssyncadd.s32 $0xFFFFFF80  }
0x4b: {  	[tilespmem:s29], [sflag:$0x1] =	stream.indirect.gather [hbm4b:s1+s15], $0x1, s19, s15, $0xb8;
	[tilespmem:$0x880] =	vst v63  }
0x4c: {  	_ = 	snop  }
0x4d: {  	[tilespmem:s30], [sflag:$0x1] =	stream.indirect.gather [hbm4b:s2+s15], $0x1, s20, s15, $0xb8;
	[tilespmem:$0x880] =	vst v63  }
0x4e: {  	_ =	swait.ge [sflag:s21], $0x80  }
0x4f: {  	[sflag:s21] =	ssyncset.done $0x0  }
0x50: {  	[sflag:s21] =	ssyncadd.s32 $0xFFFFFF80  }
0x51: {  	v0 =	vld [tilespmem:$0x800];
	_ =	swait.ge [sflag:s31], $0x80  }
0x52: {  	[sflag:s31] =	ssyncset.done $0x0  }
0x53: {  	[sflag:s31] =	ssyncadd.s32 $0xFFFFFF80  }
0x54: {  	_ =	swait.ge [sflag:s31], $0x80  }
0x55: {  	[sflag:s31] =	ssyncset.done $0x0  }
0x56: {  	[sflag:s31] =	ssyncadd.s32 $0xFFFFFF80  }
0x57: {  	v1 =	vld [tilespmem:$0x400]  }
0x58: {  	v2 =	vld [tilespmem:$0x600]  }
0x59: {  	v3 =	vld [tilespmem:$0x410]  }
0x5a: {  	v4 =	vld [tilespmem:$0x610]  }
0x5b: {  	v5 =	vld [tilespmem:$0x420]  }
0x5c: {  	v6 =	vld [tilespmem:$0x620]  }
0x5d: {  	v7 =	vld [tilespmem:$0x430]  }
0x5e: {  	v8 =	vld [tilespmem:$0x630]  }
0x5f: {  	v9 =	vld [tilespmem:$0x440]  }
0x60: {  	v10 =	vld [tilespmem:$0x640]  }
0x61: {  	v11 =	vld [tilespmem:$0x450]  }
0x62: {  	v12 =	vld [tilespmem:$0x650]  }
0x63: {  	v13 =	vld [tilespmem:$0x460]  }
0x64: {  	v36 =	vld [tilespmem:$0x660];
	v1 =	vadd.f32 v2, v1  }
0x65: {  	v37 =	vld [tilespmem:$0x470];
	v3 =	vadd.f32 v4, v3  }
0x66: {  	v38 =	vld [tilespmem:$0x670];
	v5 =	vadd.f32 v6, v5;
	v1 =	vadd.f32 v1, v0  }
0x67: {  	v7 =	vadd.f32 v8, v7;
	v3 =	vadd.f32 v3, v0  }
0x68: {  	v40 =	vadd.f32 v10, v9;
	v39 =	vadd.f32 v5, v0;
	[tilespmem:$0x400] =	vst v1  }
0x69: {  	v42 =	vadd.f32 v12, v11;
	v41 =	vadd.f32 v7, v0;
	[tilespmem:$0x410] =	vst v3  }
0x6a: {  	v2 =	vadd.f32 v36, v13;
	v43 =	vadd.f32 v40, v0;
	[tilespmem:$0x420] =	vst v39  }
0x6b: {  	v4 =	vadd.f32 v38, v37;
	v44 =	vadd.f32 v42, v0;
	[tilespmem:$0x430] =	vst v41  }
0x6c: {  	v45 =	vadd.f32 v2, v0;
	[tilespmem:$0x440] =	vst v43  }
0x6d: {  	v46 =	vadd.f32 v4, v0;
	[tilespmem:$0x450] =	vst v44  }
0x6e: {  	[tilespmem:$0x460] =	vst v45  }
0x6f: {  	[tilespmem:$0x470] =	vst v46  }
0x70: {  	[hbm4b:s8+s4] =	stream.linear.scatter [tilespmem:s22], [sflag:$0x3], $0x80, $0x38;
	[tilespmem:$0x880] =	vst v63  }
0x71: {  	_ =	swait.ge [sflag:s31], $0x80  }
0x72: {  	[sflag:s31] =	ssyncset.done $0x0  }
0x73: {  	[sflag:s31] =	ssyncadd.s32 $0xFFFFFF80  }
0x74: {  	_ =	swait.ge [sflag:s31], $0x80  }
0x75: {  	[sflag:s31] =	ssyncset.done $0x0  }
0x76: {  	[sflag:s31] =	ssyncadd.s32 $0xFFFFFF80  }
0x77: {  	v47 =	vld [tilespmem:$0x480]  }
0x78: {  	v48 =	vld [tilespmem:$0x680]  }
0x79: {  	v49 =	vld [tilespmem:$0x490]  }
0x7a: {  	v50 =	vld [tilespmem:$0x690]  }
0x7b: {  	v51 =	vld [tilespmem:$0x4A0]  }
0x7c: {  	v52 =	vld [tilespmem:$0x6A0]  }
0x7d: {  	v53 =	vld [tilespmem:$0x4B0]  }
0x7e: {  	v54 =	vld [tilespmem:$0x6B0]  }
0x7f: {  	v55 =	vld [tilespmem:$0x4C0]  }
0x80: {  	v56 =	vld [tilespmem:$0x6C0]  }
0x81: {  	v57 =	vld [tilespmem:$0x4D0]  }
0x82: {  	v58 =	vld [tilespmem:$0x6D0]  }
0x83: {  	v59 =	vld [tilespmem:$0x4E0]  }
0x84: {  	v60 =	vld [tilespmem:$0x6E0];
	v1 =	vadd.f32 v48, v47  }
0x85: {  	v61 =	vld [tilespmem:$0x4F0];
	v3 =	vadd.f32 v50, v49  }
0x86: {  	v62 =	vld [tilespmem:$0x6F0];
	v5 =	vadd.f32 v52, v51;
	v1 =	vadd.f32 v1, v0  }
0x87: {  	v7 =	vadd.f32 v54, v53;
	v3 =	vadd.f32 v3, v0  }
0x88: {  	v14 =	vadd.f32 v56, v55;
	v63 =	vadd.f32 v5, v0;
	[tilespmem:$0x480] =	vst v1  }
0x89: {  	v16 =	vadd.f32 v58, v57;
	v15 =	vadd.f32 v7, v0;
	[tilespmem:$0x490] =	vst v3  }
0x8a: {  	v2 =	vadd.f32 v60, v59;
	v17 =	vadd.f32 v14, v0;
	[tilespmem:$0x4A0] =	vst v63  }
0x8b: {  	v4 =	vadd.f32 v62, v61;
	v18 =	vadd.f32 v16, v0;
	[tilespmem:$0x4B0] =	vst v15  }
0x8c: {  	v19 =	vadd.f32 v2, v0;
	[tilespmem:$0x4C0] =	vst v17  }
0x8d: {  	v20 =	vadd.f32 v4, v0;
	[tilespmem:$0x4D0] =	vst v18  }
0x8e: {  	[tilespmem:$0x4E0] =	vst v19  }
0x8f: {  	[tilespmem:$0x4F0] =	vst v20  }
0x90: {  	[hbm4b:s9+s4] =	stream.linear.scatter [tilespmem:s24], [sflag:$0x3], $0x80, $0x38;
	[tilespmem:$0x880] =	vst v63  }
0x91: {  	_ =	swait.ge [sflag:s31], $0x80  }
0x92: {  	[sflag:s31] =	ssyncset.done $0x0  }
0x93: {  	[sflag:s31] =	ssyncadd.s32 $0xFFFFFF80  }
0x94: {  	_ =	swait.ge [sflag:s31], $0x80  }
0x95: {  	[sflag:s31] =	ssyncset.done $0x0  }
0x96: {  	[sflag:s31] =	ssyncadd.s32 $0xFFFFFF80  }
0x97: {  	v21 =	vld [tilespmem:$0x500]  }
0x98: {  	v22 =	vld [tilespmem:$0x700]  }
0x99: {  	v23 =	vld [tilespmem:$0x510]  }
0x9a: {  	v24 =	vld [tilespmem:$0x710]  }
0x9b: {  	v25 =	vld [tilespmem:$0x520]  }
0x9c: {  	v26 =	vld [tilespmem:$0x720]  }
0x9d: {  	v27 =	vld [tilespmem:$0x530]  }
0x9e: {  	v28 =	vld [tilespmem:$0x730]  }
0x9f: {  	v29 =	vld [tilespmem:$0x540]  }
0xa0: {  	v30 =	vld [tilespmem:$0x740]  }
0xa1: {  	v31 =	vld [tilespmem:$0x550]  }
0xa2: {  	v32 =	vld [tilespmem:$0x750]  }
0xa3: {  	v33 =	vld [tilespmem:$0x560]  }
0xa4: {  	v34 =	vld [tilespmem:$0x760];
	v1 =	vadd.f32 v22, v21  }
0xa5: {  	v35 =	vld [tilespmem:$0x570];
	v3 =	vadd.f32 v24, v23  }
0xa6: {  	v36 =	vld [tilespmem:$0x770];
	v5 =	vadd.f32 v26, v25;
	v1 =	vadd.f32 v1, v0  }
0xa7: {  	v7 =	vadd.f32 v28, v27;
	v3 =	vadd.f32 v3, v0  }
0xa8: {  	v38 =	vadd.f32 v30, v29;
	v37 =	vadd.f32 v5, v0;
	[tilespmem:$0x500] =	vst v1  }
0xa9: {  	v40 =	vadd.f32 v32, v31;
	v39 =	vadd.f32 v7, v0;
	[tilespmem:$0x510] =	vst v3  }
0xaa: {  	v2 =	vadd.f32 v34, v33;
	v41 =	vadd.f32 v38, v0;
	[tilespmem:$0x520] =	vst v37  }
0xab: {  	v4 =	vadd.f32 v36, v35;
	v42 =	vadd.f32 v40, v0;
	[tilespmem:$0x530] =	vst v39  }
0xac: {  	v43 =	vadd.f32 v2, v0;
	[tilespmem:$0x540] =	vst v41  }
0xad: {  	v44 =	vadd.f32 v4, v0;
	[tilespmem:$0x550] =	vst v42  }
0xae: {  	[tilespmem:$0x560] =	vst v43  }
0xaf: {  	[tilespmem:$0x570] =	vst v44  }
0xb0: {  	[hbm4b:s10+s4] =	stream.linear.scatter [tilespmem:s26], [sflag:$0x3], $0x80, $0x38;
	[tilespmem:$0x880] =	vst v63  }
0xb1: {  	_ =	swait.ge [sflag:s31], $0x80  }
0xb2: {  	[sflag:s31] =	ssyncset.done $0x0  }
0xb3: {  	[sflag:s31] =	ssyncadd.s32 $0xFFFFFF80  }
0xb4: {  	_ =	swait.ge [sflag:s31], $0x80  }
0xb5: {  	[sflag:s31] =	ssyncset.done $0x0  }
0xb6: {  	[sflag:s31] =	ssyncadd.s32 $0xFFFFFF80  }
0xb7: {  	v45 =	vld [tilespmem:$0x580]  }
0xb8: {  	v46 =	vld [tilespmem:$0x780]  }
0xb9: {  	v47 =	vld [tilespmem:$0x590]  }
0xba: {  	v48 =	vld [tilespmem:$0x790]  }
0xbb: {  	v49 =	vld [tilespmem:$0x5A0]  }
0xbc: {  	v50 =	vld [tilespmem:$0x7A0]  }
0xbd: {  	v51 =	vld [tilespmem:$0x5B0]  }
0xbe: {  	v52 =	vld [tilespmem:$0x7B0]  }
0xbf: {  	v53 =	vld [tilespmem:$0x5C0]  }
0xc0: {  	v54 =	vld [tilespmem:$0x7C0]  }
0xc1: {  	v55 =	vld [tilespmem:$0x5D0]  }
0xc2: {  	v57 =	vld [tilespmem:$0x5E0]  }
0xc3: {  	v58 =	vld [tilespmem:$0x7E0]  }
0xc4: {  	v56 =	vld [tilespmem:$0x7D0];
	v1 =	vadd.f32 v46, v45  }
0xc5: {  	v59 =	vld [tilespmem:$0x5F0];
	v3 =	vadd.f32 v48, v47  }
0xc6: {  	v60 =	vld [tilespmem:$0x7F0];
	v5 =	vadd.f32 v50, v49;
	v1 =	vadd.f32 v1, v0  }
0xc7: {  	v7 =	vadd.f32 v52, v51;
	v3 =	vadd.f32 v3, v0  }
0xc8: {  	v2 =	vadd.f32 v58, v57;
	v5 =	vadd.f32 v5, v0;
	[tilespmem:$0x580] =	vst v1  }
0xc9: {  	v61 =	vadd.f32 v54, v53;
	v7 =	vadd.f32 v7, v0;
	[tilespmem:$0x590] =	vst v3  }
0xca: {  	v62 =	vadd.f32 v56, v55;
	v63 =	vadd.f32 v2, v0;
	[tilespmem:$0x5A0] =	vst v5  }
0xcb: {  	v4 =	vadd.f32 v60, v59;
	v1 =	vadd.f32 v61, v0;
	[tilespmem:$0x5B0] =	vst v7  }
0xcc: {  	v3 =	vadd.f32 v62, v0;
	[tilespmem:$0x5E0] =	vst v63  }
0xcd: {  	v0 =	vadd.f32 v4, v0;
	[tilespmem:$0x5C0] =	vst v1  }
0xce: {  	[tilespmem:$0x5D0] =	vst v3  }
0xcf: {  	[tilespmem:$0x5F0] =	vst v0  }
0xd0: {  	[hbm4b:s11+s4] =	stream.linear.scatter [tilespmem:s29], [sflag:$0x3], $0x80, $0x38;
	[tilespmem:$0x880] =	vst v63  }
0xd1: {  	_ =	swait.ge [sflag:s0], $0x80  }
0xd2: {  	[sflag:s0] =	ssyncset.done $0x0  }
0xd3: {  	[sflag:s0] =	ssyncadd.s32 $0xFFFFFF80  }
0xd4: {  	_ =	swait.ge [sflag:s0], $0x80  }
0xd5: {  	[sflag:s0] =	ssyncset.done $0x0  }
0xd6: {  	[sflag:s0] =	ssyncadd.s32 $0xFFFFFF80  }
0xd7: {  	p0 =	sne.s32 s12, $0x1;
	_ =	swait.ge [sflag:s0], $0x80  }
.Ltmp0:
0xd8: {  	[sflag:s0] =	ssyncset.done $0x0;
	(pc) =	sbr.rel @p0 .LBB2_1-.Ltmp0, $4  }
0xd9: {  	[sflag:s0] =	ssyncadd.s32 $0xFFFFFF80  }
0xda: {  	_ =	swait.ge [sflag:s0], $0x80  }
0xdb: {  	[sflag:s0] =	ssyncset.done $0x0  }
0xdc: {  	s12 =	sadd.s32 $0xFFFFFFFF, s12;
	[sflag:s0] =	ssyncadd.s32 $0xFFFFFF80  }
0xdd: {  	_ =	sfence.sel $0x180000  }
0xde: {  	[bflag:$0x0] =	sbarrier.arrive $0xFFFF  }
0xdf: {  	_ =	strace $0x90000047  }
0xe0: {  	s0 =	stileid.u32;
	[bflag:$0x2] =	sbarrier.arrive $0xFFFF  }
0xe1: {  	p0 =	sne.s32 s0, $0x0;
	s0 =	rddreg [dreg:$0x6]  }
0xe2: {  	s0 =	sadd.s32 @!p0 $0x100000, s0  }
0xe3: {  	[sflag:s0] =	ssyncadd.tile.s32 @!p0 $0x1;
	_ =	shalt  }
.Lfunc_end2:
_tile_overlayer_lowered:
.L_overlay_start_2:
0xe4: {  	(tag) =	ssettag $0x2  }
0xe5: {  	s0 =	rddreg [dreg:$0x0];
	s2 =	stileid.u32  }
0xe6: {  	s1 =	rddreg [dreg:$0x1];
	p0 =	sne.s32 s2, $0x0  }
0xe7: {  	s3 =	rddreg [dreg:$0x2];
	[bflag:$0x3] =	sbarrier.arrive $0xFFFF;
	s2 =	simm.s32 @!p0 $0x1C04  }
0xe8: {  	[timem:s3], [sflag:s2] =	dma.local @!p0 [hbm:s0], s1  }
0xe9: {  	s0 =	simm.s32 @!p0 $0x4  }
0xea: {  	_ =	swait.ge @!p0 [sflag:s0], s1  }
0xeb: {  	s1 =	ssub.s32 @!p0 $0x0, s1;
	[sflag:s0] =	ssyncset.done @!p0 $0x0  }
0xec: {  	[sflag:s0] =	ssyncadd.s32 @!p0 s1  }
0xed: {  	[bflag:$0x3] =	sbarrier.arrive $0xFFFF  }
0xee: {  	_ =	shalt  }

</sc_bundles>
